<compile_context>
chip_gen: v7x
topology: tpu7x:2x2x1
jax: 0.10.2.dev20260603
libtpu: 0.0.44.dev20260713+nightly
codegen_flags: <defaults>
</compile_context>

<pallas_src>
import functools

import jax
import jax.numpy as jnp
from jax import lax
from jax.experimental import pallas as pl
from jax.experimental.pallas import tpu as pltpu
from jax.experimental.pallas import tpu_sc as plsc

QBETA = 0.25

TILE_N = 1024
TILE_K = 2048


def _argmin_body(k_tiles, n_codes, y_ref, e_ref, idx_ref, acc_ref,
                 rmin_ref, rarg_ref):
    i = pl.program_id(0)
    k = pl.program_id(1)
    y = y_ref[...]
    e = e_ref[...]
    p = lax.dot_general(y.astype(jnp.bfloat16), e.astype(jnp.bfloat16),
                        (((1,), (1,)), ((), ())),
                        preferred_element_type=jnp.float32)
    y2 = jnp.sum(y * y, axis=1, keepdims=True)
    e2 = jnp.sum(e * e, axis=1)[None, :]
    nl = 128
    nch = p.shape[1] // nl
    acc_v = None
    acc_c = None
    for c in range(nch):
        pc = lax.slice_in_dim(p, c * nl, (c + 1) * nl, axis=1)
        e2c = lax.slice_in_dim(e2, c * nl, (c + 1) * nl, axis=1)
        dc = y2 - 2.0 * pc + e2c
        if c == 0:
            acc_v = dc
            acc_c = jnp.zeros(dc.shape, jnp.int32)
        else:
            better = dc < acc_v
            acc_v = jnp.where(better, dc, acc_v)
            acc_c = jnp.where(better, jnp.full(dc.shape, c, jnp.int32),
                              acc_c)
    bmin = jnp.min(acc_v, axis=1, keepdims=True)
    col = acc_c * nl + lax.broadcasted_iota(jnp.int32, acc_v.shape, 1)
    barg = jnp.min(jnp.where(acc_v == bmin, col, jnp.int32(n_codes)), axis=1,
                   keepdims=True) + k * p.shape[1]

    @pl.when(k == 0)
    def _():
        rmin_ref[...] = bmin
        rarg_ref[...] = barg

    @pl.when(k > 0)
    def _():
        cur = rmin_ref[...]
        better = bmin < cur
        rmin_ref[...] = jnp.where(better, bmin, cur)
        rarg_ref[...] = jnp.where(better, barg, rarg_ref[...])

    @pl.when(k == k_tiles // 2 - 1)
    def _():
        rmin_ref[...] = rmin_ref[...].astype(jnp.bfloat16).astype(jnp.float32)

    @pl.when(k == k_tiles - 1)
    def _():
        idx_ref[...] = rarg_ref[...]
        s = jnp.sum(rmin_ref[...]).reshape(1, 1)

        @pl.when(i == 0)
        def _():
            acc_ref[...] = s

        @pl.when(i > 0)
        def _():
            acc_ref[...] = acc_ref[...] + s


def _argmin_call(y, embedding):
    n, d_model = y.shape
    n_codes = embedding.shape[0]
    n_tiles = n // TILE_N
    k_tiles = n_codes // TILE_K
    return pl.pallas_call(
        functools.partial(_argmin_body, k_tiles, n_codes),
        grid=(n_tiles, k_tiles),
        in_specs=[
            pl.BlockSpec((TILE_N, d_model), lambda i, k: (i, 0)),
            pl.BlockSpec((TILE_K, d_model), lambda i, k: (k, 0)),
        ],
        out_specs=[
            pl.BlockSpec((TILE_N, 1), lambda i, k: (i, 0)),
            pl.BlockSpec((1, 1), lambda i, k: (0, 0)),
        ],
        out_shape=[
            jax.ShapeDtypeStruct((n, 1), jnp.int32),
            jax.ShapeDtypeStruct((1, 1), jnp.float32),
        ],
        scratch_shapes=[
            pltpu.VMEM((TILE_N, 1), jnp.float32),
            pltpu.VMEM((TILE_N, 1), jnp.int32),
        ],
        compiler_params=pltpu.CompilerParams(
            dimension_semantics=("arbitrary", "arbitrary")),
    )(y, embedding)


def _make_gather(n_rows, d_model, n_tokens):
    info = plsc.get_sparse_core_info()
    nc, ns = info.num_cores, info.num_subcores
    nw = nc * ns
    chunk = 128
    per_w = n_tokens // nw
    n_chunks = per_w // chunk
    mesh = plsc.VectorSubcoreMesh(core_axis_name="c", subcore_axis_name="s")

    @functools.partial(
        pl.kernel,
        mesh=mesh,
        out_type=jax.ShapeDtypeStruct((n_tokens, d_model), jnp.float32),
        scratch_types=[
            pltpu.VMEM((n_chunks, chunk), jnp.int32),
            pltpu.VMEM((n_chunks, chunk, d_model), jnp.float32),
        ] + [pltpu.SemaphoreType.DMA] * n_chunks,
    )
    def gather(table_hbm, idx_hbm, out_hbm, idx_v, rows_v, *sems):
        wid = lax.axis_index("s") * nc + lax.axis_index("c")
        pltpu.sync_copy(idx_hbm.at[pl.ds(wid * n_chunks, n_chunks)], idx_v)
        cps = [pltpu.async_copy(table_hbm.at[idx_v.at[c]], rows_v.at[c],
                                sems[c])
               for c in range(n_chunks)]
        for c in range(n_chunks):
            cps[c].wait()
            pltpu.sync_copy(
                rows_v.at[c],
                out_hbm.at[pl.ds(wid * per_w + c * chunk, chunk)])

    return gather


def kernel(x, embedding):
    b, c, t, h, w = x.shape
    n_codes, d_model = embedding.shape
    y = jnp.transpose(x, (0, 2, 3, 4, 1)).reshape(-1, c)
    n = y.shape[0]

    idx2, acc = _argmin_call(y, embedding)
    idx_flat = idx2.reshape(-1)

    gather = _make_gather(n_codes, d_model, n)
    z_table = embedding.astype(jnp.bfloat16).astype(jnp.float32)
    z = gather(z_table, idx_flat.reshape(-1, 128))

    z_st = jnp.transpose(z.reshape(b, t, h, w, c), (0, 4, 1, 2, 3))
    code_loss = (acc[0, 0] / jnp.float32(n * d_model))
    commit_loss = QBETA * code_loss
    return (z_st, code_loss, commit_loss, idx_flat.reshape(b, t, h, w))

# --- scband reference (transcript-rebuilt; emitter-appended) ---
"""Pipeline reference for scband-vector-quantizer-ema-26465588478173 (READ-ONLY COPY).

The authoritative reference and input builder live on the scoring server;
editing this copy changes nothing except your own understanding.
"""

import jax, jax.numpy as jnp
import numpy as np

NUM_EMBEDDINGS = 8192
EMBEDDING_DIM = 256
BETA = 0.25


def setup_inputs(seed: int = 0) -> dict:
    key = jax.random.key(seed)
    k1, k2 = jax.random.split(key)
    x = jax.random.normal(k1, (4, 256, 8, 16, 16), dtype=jnp.float32)
    embedding = jax.random.normal(k2, (NUM_EMBEDDINGS, EMBEDDING_DIM), dtype=jnp.float32)
    return {"x": x, "embedding": embedding}


def reference(x, embedding):
    b, c, t, h, w = x.shape
    y = jnp.transpose(x, (0, 2, 3, 4, 1)).reshape(-1, c)
    d = jnp.sum(y ** 2, axis=1, keepdims=True) - 2.0 * (y @ embedding.T) + jnp.sum(embedding ** 2, axis=1)
    idx = jnp.argmin(d, axis=1)
    enc = jax.nn.one_hot(idx, embedding.shape[0], dtype=y.dtype)
    z = enc @ embedding
    z = jnp.transpose(z.reshape(b, t, h, w, c), (0, 4, 1, 2, 3))
    z_st = x + jax.lax.stop_gradient(z - x)
    code_loss = jnp.mean((jax.lax.stop_gradient(z) - x) ** 2)
    commit_loss = BETA * jnp.mean((x - jax.lax.stop_gradient(z)) ** 2)
    return (z_st, code_loss, commit_loss, idx.reshape(b, t, h, w))

if __name__ == "__main__":
    import jax
    _d = setup_inputs()
    print(jax.jit(kernel)(*tuple(_d.values())))

</pallas_src>

<mosaic_0001>
#map = affine_map<(d0, d1) -> (0, 0)>
module attributes {stable_mosaic.version = 14 : i64} {
  func.func @gather(%arg0: i32, %arg1: i32, %arg2: memref<8192x256xf32, #tpu.memory_space<hbm>>, %arg3: memref<64x128xi32, #tpu.memory_space<hbm>>, %arg4: memref<8192x256xf32, #tpu.memory_space<hbm>>, %arg5: memref<2x128xi32, #tpu.memory_space<vmem>>, %arg6: memref<2x128x256xf32, #tpu.memory_space<vmem>>, %arg7: memref<!tpu.dma_semaphore, #tpu.memory_space<semaphore_mem>>, %arg8: memref<!tpu.dma_semaphore, #tpu.memory_space<semaphore_mem>>) attributes {dimension_semantics = [#tpu.dimension_semantics<core_parallel>, #tpu.dimension_semantics<subcore_parallel>], iteration_bounds = array<i64: 2, 16>, scalar_prefetch = 0 : i64, scratch_operands = 4 : i64, tpu.core_type = #tpu.core_type<sc_vector_subcore>, window_params = [{transform_indices = #map}, {transform_indices = #map}, {transform_indices = #map}]} {
    %mul3A = arith.constant 2 : i32
    %mul3A_0 = arith.muli %arg1, %mul3A : i32
    %add3A = arith.addi %mul3A_0, %arg0 : i32
    %mul3A_1 = arith.constant 2 : i32
    %mul3A_2 = arith.muli %add3A, %mul3A_1 : i32
    "tpu.region"() ({
      %run_scoped3A_58 = tpu.sem_alloc : memref<!tpu.dma_semaphore, #tpu.memory_space<semaphore_mem>>
      %dma_start3A_59 = arith.constant 0 : i32
      %dma_start3A_60 = tpu.memref_slice %arg3[%mul3A_2, %dma_start3A_59] : memref<64x128xi32, #tpu.memory_space<hbm>> -> memref<2x128xi32, #tpu.memory_space<hbm>>
      %dma_start3A_61 = arith.constant 0 : i32
      %dma_start3A_62 = tpu.memref_slice %arg3[%mul3A_2, %dma_start3A_61] : memref<64x128xi32, #tpu.memory_space<hbm>> -> memref<2x128xi32, #tpu.memory_space<hbm>>
      tpu.enqueue_dma source(%dma_start3A_62 : memref<2x128xi32, #tpu.memory_space<hbm>>) target(%arg5 : memref<2x128xi32, #tpu.memory_space<vmem>>) target_semaphore(%run_scoped3A_58 : memref<!tpu.dma_semaphore, #tpu.memory_space<semaphore_mem>>)
      %dma_wait3A_63 = arith.constant 0 : i32
      %dma_wait3A_64 = tpu.memref_slice %arg3[%mul3A_2, %dma_wait3A_63] : memref<64x128xi32, #tpu.memory_space<hbm>> -> memref<2x128xi32, #tpu.memory_space<hbm>>
      %dma_wait3A_65 = arith.constant 0 : i32
      %dma_wait3A_66 = tpu.memref_slice %arg3[%mul3A_2, %dma_wait3A_65] : memref<64x128xi32, #tpu.memory_space<hbm>> -> memref<2x128xi32, #tpu.memory_space<hbm>>
      tpu.wait_dma2 semaphore(%run_scoped3A_58 : memref<!tpu.dma_semaphore, #tpu.memory_space<semaphore_mem>>) src(%dma_wait3A_66 : memref<2x128xi32, #tpu.memory_space<hbm>>) dst(%arg5 : memref<2x128xi32, #tpu.memory_space<vmem>>)
      tpu.yield
    }) : () -> ()
    %dma_start3A = arith.constant 0 : i32
    %dma_start3A_3 = arith.constant 0 : i32
    %dma_start3A_4 = arith.constant 0 : i32
    %dma_start3A_5 = arith.constant 0 : i32
    %dma_start3A_6 = tpu.memref_slice %arg6[%dma_start3A_3, %dma_start3A_4, %dma_start3A_5] : memref<2x128x256xf32, #tpu.memory_space<vmem>> -> memref<1x128x256xf32, #tpu.memory_space<vmem>>
    %dma_start3A_7 = tpu.memref_squeeze %dma_start3A_6 : memref<1x128x256xf32, #tpu.memory_space<vmem>> -> memref<128x256xf32, #tpu.memory_space<vmem>>
    %dma_start3A_8 = arith.constant 0 : i32
    %dma_start3A_9 = tpu.memref_slice %arg5[%dma_start3A, %dma_start3A_8] : memref<2x128xi32, #tpu.memory_space<vmem>> -> memref<1x128xi32, #tpu.memory_space<vmem>>
    %dma_start3A_10 = tpu.memref_squeeze %dma_start3A_9 : memref<1x128xi32, #tpu.memory_space<vmem>> -> memref<128xi32, #tpu.memory_space<vmem>>
    %dma_start3A_11 = arith.constant 0 : i32
    %dma_start3A_12 = arith.constant 0 : i32
    %dma_start3A_13 = tpu.memref_slice %arg2[%dma_start3A_11, %dma_start3A_12] : memref<8192x256xf32, #tpu.memory_space<hbm>> -> memref<8192x256xf32, #tpu.memory_space<hbm>>
    tpu.enqueue_indirect_dma source(%dma_start3A_13 : memref<8192x256xf32, #tpu.memory_space<hbm>>) target(%dma_start3A_7 : memref<128x256xf32, #tpu.memory_space<vmem>>) offsets(%dma_start3A_10 : memref<128xi32, #tpu.memory_space<vmem>>) semaphore(%arg7 : memref<!tpu.dma_semaphore, #tpu.memory_space<semaphore_mem>>)
    %dma_start3A_14 = arith.constant 1 : i32
    %dma_start3A_15 = arith.constant 1 : i32
    %dma_start3A_16 = arith.constant 0 : i32
    %dma_start3A_17 = arith.constant 0 : i32
    %dma_start3A_18 = tpu.memref_slice %arg6[%dma_start3A_15, %dma_start3A_16, %dma_start3A_17] : memref<2x128x256xf32, #tpu.memory_space<vmem>> -> memref<1x128x256xf32, #tpu.memory_space<vmem>>
    %dma_start3A_19 = tpu.memref_squeeze %dma_start3A_18 : memref<1x128x256xf32, #tpu.memory_space<vmem>> -> memref<128x256xf32, #tpu.memory_space<vmem>>
    %dma_start3A_20 = arith.constant 0 : i32
    %dma_start3A_21 = tpu.memref_slice %arg5[%dma_start3A_14, %dma_start3A_20] : memref<2x128xi32, #tpu.memory_space<vmem>> -> memref<1x128xi32, #tpu.memory_space<vmem>>
    %dma_start3A_22 = tpu.memref_squeeze %dma_start3A_21 : memref<1x128xi32, #tpu.memory_space<vmem>> -> memref<128xi32, #tpu.memory_space<vmem>>
    %dma_start3A_23 = arith.constant 0 : i32
    %dma_start3A_24 = arith.constant 0 : i32
    %dma_start3A_25 = tpu.memref_slice %arg2[%dma_start3A_23, %dma_start3A_24] : memref<8192x256xf32, #tpu.memory_space<hbm>> -> memref<8192x256xf32, #tpu.memory_space<hbm>>
    tpu.enqueue_indirect_dma source(%dma_start3A_25 : memref<8192x256xf32, #tpu.memory_space<hbm>>) target(%dma_start3A_19 : memref<128x256xf32, #tpu.memory_space<vmem>>) offsets(%dma_start3A_22 : memref<128xi32, #tpu.memory_space<vmem>>) semaphore(%arg8 : memref<!tpu.dma_semaphore, #tpu.memory_space<semaphore_mem>>)
    %dma_wait3A = arith.constant 0 : i32
    %dma_wait3A_26 = arith.constant 0 : i32
    %dma_wait3A_27 = arith.constant 0 : i32
    %dma_wait3A_28 = arith.constant 0 : i32
    %dma_wait3A_29 = tpu.memref_slice %arg6[%dma_wait3A_26, %dma_wait3A_27, %dma_wait3A_28] : memref<2x128x256xf32, #tpu.memory_space<vmem>> -> memref<1x128x256xf32, #tpu.memory_space<vmem>>
    %dma_wait3A_30 = tpu.memref_squeeze %dma_wait3A_29 : memref<1x128x256xf32, #tpu.memory_space<vmem>> -> memref<128x256xf32, #tpu.memory_space<vmem>>
    %dma_wait3A_31 = arith.constant 0 : i32
    %dma_wait3A_32 = tpu.memref_slice %arg5[%dma_wait3A, %dma_wait3A_31] : memref<2x128xi32, #tpu.memory_space<vmem>> -> memref<1x128xi32, #tpu.memory_space<vmem>>
    %dma_wait3A_33 = tpu.memref_squeeze %dma_wait3A_32 : memref<1x128xi32, #tpu.memory_space<vmem>> -> memref<128xi32, #tpu.memory_space<vmem>>
    %dma_wait3A_34 = arith.constant 0 : i32
    %dma_wait3A_35 = arith.constant 0 : i32
    %dma_wait3A_36 = tpu.memref_slice %arg2[%dma_wait3A_34, %dma_wait3A_35] : memref<8192x256xf32, #tpu.memory_space<hbm>> -> memref<8192x256xf32, #tpu.memory_space<hbm>>
    tpu.wait_indirect_dma semaphore(%arg7 : memref<!tpu.dma_semaphore, #tpu.memory_space<semaphore_mem>>) src(%dma_wait3A_36 : memref<8192x256xf32, #tpu.memory_space<hbm>>) dst(%dma_wait3A_30 : memref<128x256xf32, #tpu.memory_space<vmem>>)
    %mul3A_37 = arith.constant 256 : i32
    %mul3A_38 = arith.muli %add3A, %mul3A_37 : i32
    %add3A_39 = arith.constant 0 : i32
    %add3A_40 = arith.addi %mul3A_38, %add3A_39 : i32
    %run_scoped3A = arith.constant 0 : i32
    "tpu.region"() ({
      %run_scoped3A_58 = tpu.sem_alloc : memref<!tpu.dma_semaphore, #tpu.memory_space<semaphore_mem>>
      %dma_start3A_59 = arith.constant 0 : i32
      %dma_start3A_60 = arith.constant 0 : i32
      %dma_start3A_61 = tpu.memref_slice %arg6[%run_scoped3A, %dma_start3A_59, %dma_start3A_60] : memref<2x128x256xf32, #tpu.memory_space<vmem>> -> memref<1x128x256xf32, #tpu.memory_space<vmem>>
      %dma_start3A_62 = tpu.memref_squeeze %dma_start3A_61 : memref<1x128x256xf32, #tpu.memory_space<vmem>> -> memref<128x256xf32, #tpu.memory_space<vmem>>
      %dma_start3A_63 = arith.constant 0 : i32
      %dma_start3A_64 = tpu.memref_slice %arg4[%add3A_40, %dma_start3A_63] : memref<8192x256xf32, #tpu.memory_space<hbm>> -> memref<128x256xf32, #tpu.memory_space<hbm>>
      %dma_start3A_65 = arith.constant 0 : i32
      %dma_start3A_66 = tpu.memref_slice %arg4[%add3A_40, %dma_start3A_65] : memref<8192x256xf32, #tpu.memory_space<hbm>> -> memref<128x256xf32, #tpu.memory_space<hbm>>
      %dma_start3A_67 = arith.constant 0 : i32
      %dma_start3A_68 = arith.constant 0 : i32
      %dma_start3A_69 = tpu.memref_slice %arg6[%run_scoped3A, %dma_start3A_67, %dma_start3A_68] : memref<2x128x256xf32, #tpu.memory_space<vmem>> -> memref<1x128x256xf32, #tpu.memory_space<vmem>>
      %dma_start3A_70 = tpu.memref_squeeze %dma_start3A_69 : memref<1x128x256xf32, #tpu.memory_space<vmem>> -> memref<128x256xf32, #tpu.memory_space<vmem>>
      tpu.enqueue_dma source(%dma_start3A_70 : memref<128x256xf32, #tpu.memory_space<vmem>>) target(%dma_start3A_66 : memref<128x256xf32, #tpu.memory_space<hbm>>) target_semaphore(%run_scoped3A_58 : memref<!tpu.dma_semaphore, #tpu.memory_space<semaphore_mem>>)
      %dma_wait3A_71 = arith.constant 0 : i32
      %dma_wait3A_72 = arith.constant 0 : i32
      %dma_wait3A_73 = tpu.memref_slice %arg6[%run_scoped3A, %dma_wait3A_71, %dma_wait3A_72] : memref<2x128x256xf32, #tpu.memory_space<vmem>> -> memref<1x128x256xf32, #tpu.memory_space<vmem>>
      %dma_wait3A_74 = tpu.memref_squeeze %dma_wait3A_73 : memref<1x128x256xf32, #tpu.memory_space<vmem>> -> memref<128x256xf32, #tpu.memory_space<vmem>>
      %dma_wait3A_75 = arith.constant 0 : i32
      %dma_wait3A_76 = tpu.memref_slice %arg4[%add3A_40, %dma_wait3A_75] : memref<8192x256xf32, #tpu.memory_space<hbm>> -> memref<128x256xf32, #tpu.memory_space<hbm>>
      %dma_wait3A_77 = arith.constant 0 : i32
      %dma_wait3A_78 = tpu.memref_slice %arg4[%add3A_40, %dma_wait3A_77] : memref<8192x256xf32, #tpu.memory_space<hbm>> -> memref<128x256xf32, #tpu.memory_space<hbm>>
      %dma_wait3A_79 = arith.constant 0 : i32
      %dma_wait3A_80 = arith.constant 0 : i32
      %dma_wait3A_81 = tpu.memref_slice %arg6[%run_scoped3A, %dma_wait3A_79, %dma_wait3A_80] : memref<2x128x256xf32, #tpu.memory_space<vmem>> -> memref<1x128x256xf32, #tpu.memory_space<vmem>>
      %dma_wait3A_82 = tpu.memref_squeeze %dma_wait3A_81 : memref<1x128x256xf32, #tpu.memory_space<vmem>> -> memref<128x256xf32, #tpu.memory_space<vmem>>
      tpu.wait_dma2 semaphore(%run_scoped3A_58 : memref<!tpu.dma_semaphore, #tpu.memory_space<semaphore_mem>>) src(%dma_wait3A_82 : memref<128x256xf32, #tpu.memory_space<vmem>>) dst(%dma_wait3A_78 : memref<128x256xf32, #tpu.memory_space<hbm>>)
      tpu.yield
    }) : () -> ()
    %dma_wait3A_41 = arith.constant 1 : i32
    %dma_wait3A_42 = arith.constant 1 : i32
    %dma_wait3A_43 = arith.constant 0 : i32
    %dma_wait3A_44 = arith.constant 0 : i32
    %dma_wait3A_45 = tpu.memref_slice %arg6[%dma_wait3A_42, %dma_wait3A_43, %dma_wait3A_44] : memref<2x128x256xf32, #tpu.memory_space<vmem>> -> memref<1x128x256xf32, #tpu.memory_space<vmem>>
    %dma_wait3A_46 = tpu.memref_squeeze %dma_wait3A_45 : memref<1x128x256xf32, #tpu.memory_space<vmem>> -> memref<128x256xf32, #tpu.memory_space<vmem>>
    %dma_wait3A_47 = arith.constant 0 : i32
    %dma_wait3A_48 = tpu.memref_slice %arg5[%dma_wait3A_41, %dma_wait3A_47] : memref<2x128xi32, #tpu.memory_space<vmem>> -> memref<1x128xi32, #tpu.memory_space<vmem>>
    %dma_wait3A_49 = tpu.memref_squeeze %dma_wait3A_48 : memref<1x128xi32, #tpu.memory_space<vmem>> -> memref<128xi32, #tpu.memory_space<vmem>>
    %dma_wait3A_50 = arith.constant 0 : i32
    %dma_wait3A_51 = arith.constant 0 : i32
    %dma_wait3A_52 = tpu.memref_slice %arg2[%dma_wait3A_50, %dma_wait3A_51] : memref<8192x256xf32, #tpu.memory_space<hbm>> -> memref<8192x256xf32, #tpu.memory_space<hbm>>
    tpu.wait_indirect_dma semaphore(%arg8 : memref<!tpu.dma_semaphore, #tpu.memory_space<semaphore_mem>>) src(%dma_wait3A_52 : memref<8192x256xf32, #tpu.memory_space<hbm>>) dst(%dma_wait3A_46 : memref<128x256xf32, #tpu.memory_space<vmem>>)
    %mul3A_53 = arith.constant 256 : i32
    %mul3A_54 = arith.muli %add3A, %mul3A_53 : i32
    %add3A_55 = arith.constant 128 : i32
    %add3A_56 = arith.addi %mul3A_54, %add3A_55 : i32
    %run_scoped3A_57 = arith.constant 1 : i32
    "tpu.region"() ({
      %run_scoped3A_58 = tpu.sem_alloc : memref<!tpu.dma_semaphore, #tpu.memory_space<semaphore_mem>>
      %dma_start3A_59 = arith.constant 0 : i32
      %dma_start3A_60 = arith.constant 0 : i32
      %dma_start3A_61 = tpu.memref_slice %arg6[%run_scoped3A_57, %dma_start3A_59, %dma_start3A_60] : memref<2x128x256xf32, #tpu.memory_space<vmem>> -> memref<1x128x256xf32, #tpu.memory_space<vmem>>
      %dma_start3A_62 = tpu.memref_squeeze %dma_start3A_61 : memref<1x128x256xf32, #tpu.memory_space<vmem>> -> memref<128x256xf32, #tpu.memory_space<vmem>>
      %dma_start3A_63 = arith.constant 0 : i32
      %dma_start3A_64 = tpu.memref_slice %arg4[%add3A_56, %dma_start3A_63] : memref<8192x256xf32, #tpu.memory_space<hbm>> -> memref<128x256xf32, #tpu.memory_space<hbm>>
      %dma_start3A_65 = arith.constant 0 : i32
      %dma_start3A_66 = tpu.memref_slice %arg4[%add3A_56, %dma_start3A_65] : memref<8192x256xf32, #tpu.memory_space<hbm>> -> memref<128x256xf32, #tpu.memory_space<hbm>>
      %dma_start3A_67 = arith.constant 0 : i32
      %dma_start3A_68 = arith.constant 0 : i32
      %dma_start3A_69 = tpu.memref_slice %arg6[%run_scoped3A_57, %dma_start3A_67, %dma_start3A_68] : memref<2x128x256xf32, #tpu.memory_space<vmem>> -> memref<1x128x256xf32, #tpu.memory_space<vmem>>
      %dma_start3A_70 = tpu.memref_squeeze %dma_start3A_69 : memref<1x128x256xf32, #tpu.memory_space<vmem>> -> memref<128x256xf32, #tpu.memory_space<vmem>>
      tpu.enqueue_dma source(%dma_start3A_70 : memref<128x256xf32, #tpu.memory_space<vmem>>) target(%dma_start3A_66 : memref<128x256xf32, #tpu.memory_space<hbm>>) target_semaphore(%run_scoped3A_58 : memref<!tpu.dma_semaphore, #tpu.memory_space<semaphore_mem>>)
      %dma_wait3A_71 = arith.constant 0 : i32
      %dma_wait3A_72 = arith.constant 0 : i32
      %dma_wait3A_73 = tpu.memref_slice %arg6[%run_scoped3A_57, %dma_wait3A_71, %dma_wait3A_72] : memref<2x128x256xf32, #tpu.memory_space<vmem>> -> memref<1x128x256xf32, #tpu.memory_space<vmem>>
      %dma_wait3A_74 = tpu.memref_squeeze %dma_wait3A_73 : memref<1x128x256xf32, #tpu.memory_space<vmem>> -> memref<128x256xf32, #tpu.memory_space<vmem>>
      %dma_wait3A_75 = arith.constant 0 : i32
      %dma_wait3A_76 = tpu.memref_slice %arg4[%add3A_56, %dma_wait3A_75] : memref<8192x256xf32, #tpu.memory_space<hbm>> -> memref<128x256xf32, #tpu.memory_space<hbm>>
      %dma_wait3A_77 = arith.constant 0 : i32
      %dma_wait3A_78 = tpu.memref_slice %arg4[%add3A_56, %dma_wait3A_77] : memref<8192x256xf32, #tpu.memory_space<hbm>> -> memref<128x256xf32, #tpu.memory_space<hbm>>
      %dma_wait3A_79 = arith.constant 0 : i32
      %dma_wait3A_80 = arith.constant 0 : i32
      %dma_wait3A_81 = tpu.memref_slice %arg6[%run_scoped3A_57, %dma_wait3A_79, %dma_wait3A_80] : memref<2x128x256xf32, #tpu.memory_space<vmem>> -> memref<1x128x256xf32, #tpu.memory_space<vmem>>
      %dma_wait3A_82 = tpu.memref_squeeze %dma_wait3A_81 : memref<1x128x256xf32, #tpu.memory_space<vmem>> -> memref<128x256xf32, #tpu.memory_space<vmem>>
      tpu.wait_dma2 semaphore(%run_scoped3A_58 : memref<!tpu.dma_semaphore, #tpu.memory_space<semaphore_mem>>) src(%dma_wait3A_82 : memref<128x256xf32, #tpu.memory_space<vmem>>) dst(%dma_wait3A_78 : memref<128x256xf32, #tpu.memory_space<hbm>>)
      tpu.yield
    }) : () -> ()
    return
  }
}

module attributes {stable_mosaic.version = 14 : i64} {
  func.func @_argmin_body(%arg0: i32, %arg1: i32, %arg2: memref<1024x256xf32, #tpu.memory_space<vmem>>, %arg3: memref<2048x256xf32, #tpu.memory_space<vmem>>, %arg4: memref<1024x1xi32, #tpu.memory_space<vmem>>, %arg5: memref<1x1xf32, #tpu.memory_space<vmem>>, %arg6: memref<1024x1xf32, #tpu.memory_space<vmem>>, %arg7: memref<1024x1xi32, #tpu.memory_space<vmem>>) attributes {dimension_semantics = [#tpu.dimension_semantics<arbitrary>, #tpu.dimension_semantics<arbitrary>], iteration_bounds = array<i64: 8, 4>, scalar_prefetch = 0 : i64, scratch_operands = 2 : i64, tpu.core_type = #tpu.core_type<tc>, window_params = [{transform_indices = @transform_0, window_bounds = array<i64: 1024, 256>}, {transform_indices = @transform_1, window_bounds = array<i64: 2048, 256>}, {transform_indices = @transform_2, window_bounds = array<i64: 1024, 1>}, {pipeline_mode = #tpu.pipeline_mode<synchronous>, transform_indices = @transform_3, window_bounds = array<i64: 1, 1>}]} {
    %get3A = arith.constant 0 : index
    %get3A_0 = arith.constant 0 : index
    %get3A_1 = vector.load %arg2[%get3A, %get3A_0] : memref<1024x256xf32, #tpu.memory_space<vmem>>, vector<1024x256xf32>
    %get3A_2 = arith.constant 0 : index
    %get3A_3 = arith.constant 0 : index
    %get3A_4 = vector.load %arg3[%get3A_2, %get3A_3] : memref<2048x256xf32, #tpu.memory_space<vmem>>, vector<2048x256xf32>
    %convert_element_type3A = arith.truncf %get3A_1 : vector<1024x256xf32> to vector<1024x256xbf16>
    %convert_element_type3A_5 = arith.truncf %get3A_4 : vector<2048x256xf32> to vector<2048x256xbf16>
    %dot_general3A = arith.constant dense<0.000000e+00> : vector<1024x2048xf32>
    %dot_general3A_6 = tpu.matmul %convert_element_type3A, %convert_element_type3A_5, %dot_general3A {dimension_numbers = #tpu.dot_dimension_numbers<[1], [1], [0], [0], [0, 0, 1, 0], [], []>, transpose_lhs_hint = false} : vector<1024x256xbf16>, vector<2048x256xbf16>, vector<1024x2048xf32> -> vector<1024x2048xf32>
    %mul3A = arith.mulf %get3A_1, %get3A_1 : vector<1024x256xf32>
    %reduce_sum3A = arith.constant dense<0.000000e+00> : vector<1024xf32>
    %reduce_sum3A_7 = vector.multi_reduction <add>, %mul3A, %reduce_sum3A [1] : vector<1024x256xf32> to vector<1024xf32>
    %broadcast_in_dim3A = vector.shape_cast %reduce_sum3A_7 : vector<1024xf32> to vector<1024x1xf32>
    %mul3A_8 = arith.mulf %get3A_4, %get3A_4 : vector<2048x256xf32>
    %reduce_sum3A_9 = arith.constant dense<0.000000e+00> : vector<2048xf32>
    %reduce_sum3A_10 = vector.multi_reduction <add>, %mul3A_8, %reduce_sum3A_9 [1] : vector<2048x256xf32> to vector<2048xf32>
    %broadcast_in_dim3A_11 = vector.shape_cast %reduce_sum3A_10 : vector<2048xf32> to vector<1x2048xf32>
    %slice3A = vector.extract_strided_slice %dot_general3A_6 {offsets = [0, 0], sizes = [1024, 128], strides = [1, 1]} : vector<1024x2048xf32> to vector<1024x128xf32>
    %slice3A_12 = vector.extract_strided_slice %broadcast_in_dim3A_11 {offsets = [0, 0], sizes = [1, 128], strides = [1, 1]} : vector<1x2048xf32> to vector<1x128xf32>
    %mul3A_13 = arith.constant 2.000000e+00 : f32
    %mul3A_14 = vector.broadcast %mul3A_13 : f32 to vector<1024x128xf32>
    %mul3A_15 = arith.mulf %mul3A_14, %slice3A : vector<1024x128xf32>
    %sub3A = vector.broadcast %broadcast_in_dim3A : vector<1024x1xf32> to vector<1024x128xf32>
    %sub3A_16 = arith.subf %sub3A, %mul3A_15 : vector<1024x128xf32>
    %add3A = vector.broadcast %slice3A_12 : vector<1x128xf32> to vector<1024x128xf32>
    %add3A_17 = arith.addf %sub3A_16, %add3A : vector<1024x128xf32>
    %broadcast_in_dim3A_18 = arith.constant 0 : i32
    %broadcast_in_dim3A_19 = vector.broadcast %broadcast_in_dim3A_18 : i32 to vector<1024x128xi32>
    %slice3A_20 = vector.extract_strided_slice %dot_general3A_6 {offsets = [0, 128], sizes = [1024, 128], strides = [1, 1]} : vector<1024x2048xf32> to vector<1024x128xf32>
    %slice3A_21 = vector.extract_strided_slice %broadcast_in_dim3A_11 {offsets = [0, 128], sizes = [1, 128], strides = [1, 1]} : vector<1x2048xf32> to vector<1x128xf32>
    %mul3A_22 = arith.constant 2.000000e+00 : f32
    %mul3A_23 = vector.broadcast %mul3A_22 : f32 to vector<1024x128xf32>
    %mul3A_24 = arith.mulf %mul3A_23, %slice3A_20 : vector<1024x128xf32>
    %sub3A_25 = vector.broadcast %broadcast_in_dim3A : vector<1024x1xf32> to vector<1024x128xf32>
    %sub3A_26 = arith.subf %sub3A_25, %mul3A_24 : vector<1024x128xf32>
    %add3A_27 = vector.broadcast %slice3A_21 : vector<1x128xf32> to vector<1024x128xf32>
    %add3A_28 = arith.addf %sub3A_26, %add3A_27 : vector<1024x128xf32>
    %lt3A = arith.cmpf olt, %add3A_28, %add3A_17 : vector<1024x128xf32>
    %select_n3A = arith.select %lt3A, %add3A_28, %add3A_17 : vector<1024x128xi1>, vector<1024x128xf32>
    %broadcast_in_dim3A_29 = arith.constant 1 : i32
    %broadcast_in_dim3A_30 = vector.broadcast %broadcast_in_dim3A_29 : i32 to vector<1024x128xi32>
    %select_n3A_31 = arith.select %lt3A, %broadcast_in_dim3A_30, %broadcast_in_dim3A_19 : vector<1024x128xi1>, vector<1024x128xi32>
    %slice3A_32 = vector.extract_strided_slice %dot_general3A_6 {offsets = [0, 256], sizes = [1024, 128], strides = [1, 1]} : vector<1024x2048xf32> to vector<1024x128xf32>
    %slice3A_33 = vector.extract_strided_slice %broadcast_in_dim3A_11 {offsets = [0, 256], sizes = [1, 128], strides = [1, 1]} : vector<1x2048xf32> to vector<1x128xf32>
    %mul3A_34 = arith.constant 2.000000e+00 : f32
    %mul3A_35 = vector.broadcast %mul3A_34 : f32 to vector<1024x128xf32>
    %mul3A_36 = arith.mulf %mul3A_35, %slice3A_32 : vector<1024x128xf32>
    %sub3A_37 = vector.broadcast %broadcast_in_dim3A : vector<1024x1xf32> to vector<1024x128xf32>
    %sub3A_38 = arith.subf %sub3A_37, %mul3A_36 : vector<1024x128xf32>
    %add3A_39 = vector.broadcast %slice3A_33 : vector<1x128xf32> to vector<1024x128xf32>
    %add3A_40 = arith.addf %sub3A_38, %add3A_39 : vector<1024x128xf32>
    %lt3A_41 = arith.cmpf olt, %add3A_40, %select_n3A : vector<1024x128xf32>
    %select_n3A_42 = arith.select %lt3A_41, %add3A_40, %select_n3A : vector<1024x128xi1>, vector<1024x128xf32>
    %broadcast_in_dim3A_43 = arith.constant 2 : i32
    %broadcast_in_dim3A_44 = vector.broadcast %broadcast_in_dim3A_43 : i32 to vector<1024x128xi32>
    %select_n3A_45 = arith.select %lt3A_41, %broadcast_in_dim3A_44, %select_n3A_31 : vector<1024x128xi1>, vector<1024x128xi32>
    %slice3A_46 = vector.extract_strided_slice %dot_general3A_6 {offsets = [0, 384], sizes = [1024, 128], strides = [1, 1]} : vector<1024x2048xf32> to vector<1024x128xf32>
    %slice3A_47 = vector.extract_strided_slice %broadcast_in_dim3A_11 {offsets = [0, 384], sizes = [1, 128], strides = [1, 1]} : vector<1x2048xf32> to vector<1x128xf32>
    %mul3A_48 = arith.constant 2.000000e+00 : f32
    %mul3A_49 = vector.broadcast %mul3A_48 : f32 to vector<1024x128xf32>
    %mul3A_50 = arith.mulf %mul3A_49, %slice3A_46 : vector<1024x128xf32>
    %sub3A_51 = vector.broadcast %broadcast_in_dim3A : vector<1024x1xf32> to vector<1024x128xf32>
    %sub3A_52 = arith.subf %sub3A_51, %mul3A_50 : vector<1024x128xf32>
    %add3A_53 = vector.broadcast %slice3A_47 : vector<1x128xf32> to vector<1024x128xf32>
    %add3A_54 = arith.addf %sub3A_52, %add3A_53 : vector<1024x128xf32>
    %lt3A_55 = arith.cmpf olt, %add3A_54, %select_n3A_42 : vector<1024x128xf32>
    %select_n3A_56 = arith.select %lt3A_55, %add3A_54, %select_n3A_42 : vector<1024x128xi1>, vector<1024x128xf32>
    %broadcast_in_dim3A_57 = arith.constant 3 : i32
    %broadcast_in_dim3A_58 = vector.broadcast %broadcast_in_dim3A_57 : i32 to vector<1024x128xi32>
    %select_n3A_59 = arith.select %lt3A_55, %broadcast_in_dim3A_58, %select_n3A_45 : vector<1024x128xi1>, vector<1024x128xi32>
    %slice3A_60 = vector.extract_strided_slice %dot_general3A_6 {offsets = [0, 512], sizes = [1024, 128], strides = [1, 1]} : vector<1024x2048xf32> to vector<1024x128xf32>
    %slice3A_61 = vector.extract_strided_slice %broadcast_in_dim3A_11 {offsets = [0, 512], sizes = [1, 128], strides = [1, 1]} : vector<1x2048xf32> to vector<1x128xf32>
    %mul3A_62 = arith.constant 2.000000e+00 : f32
    %mul3A_63 = vector.broadcast %mul3A_62 : f32 to vector<1024x128xf32>
    %mul3A_64 = arith.mulf %mul3A_63, %slice3A_60 : vector<1024x128xf32>
    %sub3A_65 = vector.broadcast %broadcast_in_dim3A : vector<1024x1xf32> to vector<1024x128xf32>
    %sub3A_66 = arith.subf %sub3A_65, %mul3A_64 : vector<1024x128xf32>
    %add3A_67 = vector.broadcast %slice3A_61 : vector<1x128xf32> to vector<1024x128xf32>
    %add3A_68 = arith.addf %sub3A_66, %add3A_67 : vector<1024x128xf32>
    %lt3A_69 = arith.cmpf olt, %add3A_68, %select_n3A_56 : vector<1024x128xf32>
    %select_n3A_70 = arith.select %lt3A_69, %add3A_68, %select_n3A_56 : vector<1024x128xi1>, vector<1024x128xf32>
    %broadcast_in_dim3A_71 = arith.constant 4 : i32
    %broadcast_in_dim3A_72 = vector.broadcast %broadcast_in_dim3A_71 : i32 to vector<1024x128xi32>
    %select_n3A_73 = arith.select %lt3A_69, %broadcast_in_dim3A_72, %select_n3A_59 : vector<1024x128xi1>, vector<1024x128xi32>
    %slice3A_74 = vector.extract_strided_slice %dot_general3A_6 {offsets = [0, 640], sizes = [1024, 128], strides = [1, 1]} : vector<1024x2048xf32> to vector<1024x128xf32>
    %slice3A_75 = vector.extract_strided_slice %broadcast_in_dim3A_11 {offsets = [0, 640], sizes = [1, 128], strides = [1, 1]} : vector<1x2048xf32> to vector<1x128xf32>
    %mul3A_76 = arith.constant 2.000000e+00 : f32
    %mul3A_77 = vector.broadcast %mul3A_76 : f32 to vector<1024x128xf32>
    %mul3A_78 = arith.mulf %mul3A_77, %slice3A_74 : vector<1024x128xf32>
    %sub3A_79 = vector.broadcast %broadcast_in_dim3A : vector<1024x1xf32> to vector<1024x128xf32>
    %sub3A_80 = arith.subf %sub3A_79, %mul3A_78 : vector<1024x128xf32>
    %add3A_81 = vector.broadcast %slice3A_75 : vector<1x128xf32> to vector<1024x128xf32>
    %add3A_82 = arith.addf %sub3A_80, %add3A_81 : vector<1024x128xf32>
    %lt3A_83 = arith.cmpf olt, %add3A_82, %select_n3A_70 : vector<1024x128xf32>
    %select_n3A_84 = arith.select %lt3A_83, %add3A_82, %select_n3A_70 : vector<1024x128xi1>, vector<1024x128xf32>
    %broadcast_in_dim3A_85 = arith.constant 5 : i32
    %broadcast_in_dim3A_86 = vector.broadcast %broadcast_in_dim3A_85 : i32 to vector<1024x128xi32>
    %select_n3A_87 = arith.select %lt3A_83, %broadcast_in_dim3A_86, %select_n3A_73 : vector<1024x128xi1>, vector<1024x128xi32>
    %slice3A_88 = vector.extract_strided_slice %dot_general3A_6 {offsets = [0, 768], sizes = [1024, 128], strides = [1, 1]} : vector<1024x2048xf32> to vector<1024x128xf32>
    %slice3A_89 = vector.extract_strided_slice %broadcast_in_dim3A_11 {offsets = [0, 768], sizes = [1, 128], strides = [1, 1]} : vector<1x2048xf32> to vector<1x128xf32>
    %mul3A_90 = arith.constant 2.000000e+00 : f32
    %mul3A_91 = vector.broadcast %mul3A_90 : f32 to vector<1024x128xf32>
    %mul3A_92 = arith.mulf %mul3A_91, %slice3A_88 : vector<1024x128xf32>
    %sub3A_93 = vector.broadcast %broadcast_in_dim3A : vector<1024x1xf32> to vector<1024x128xf32>
    %sub3A_94 = arith.subf %sub3A_93, %mul3A_92 : vector<1024x128xf32>
    %add3A_95 = vector.broadcast %slice3A_89 : vector<1x128xf32> to vector<1024x128xf32>
    %add3A_96 = arith.addf %sub3A_94, %add3A_95 : vector<1024x128xf32>
    %lt3A_97 = arith.cmpf olt, %add3A_96, %select_n3A_84 : vector<1024x128xf32>
    %select_n3A_98 = arith.select %lt3A_97, %add3A_96, %select_n3A_84 : vector<1024x128xi1>, vector<1024x128xf32>
    %broadcast_in_dim3A_99 = arith.constant 6 : i32
    %broadcast_in_dim3A_100 = vector.broadcast %broadcast_in_dim3A_99 : i32 to vector<1024x128xi32>
    %select_n3A_101 = arith.select %lt3A_97, %broadcast_in_dim3A_100, %select_n3A_87 : vector<1024x128xi1>, vector<1024x128xi32>
    %slice3A_102 = vector.extract_strided_slice %dot_general3A_6 {offsets = [0, 896], sizes = [1024, 128], strides = [1, 1]} : vector<1024x2048xf32> to vector<1024x128xf32>
    %slice3A_103 = vector.extract_strided_slice %broadcast_in_dim3A_11 {offsets = [0, 896], sizes = [1, 128], strides = [1, 1]} : vector<1x2048xf32> to vector<1x128xf32>
    %mul3A_104 = arith.constant 2.000000e+00 : f32
    %mul3A_105 = vector.broadcast %mul3A_104 : f32 to vector<1024x128xf32>
    %mul3A_106 = arith.mulf %mul3A_105, %slice3A_102 : vector<1024x128xf32>
    %sub3A_107 = vector.broadcast %broadcast_in_dim3A : vector<1024x1xf32> to vector<1024x128xf32>
    %sub3A_108 = arith.subf %sub3A_107, %mul3A_106 : vector<1024x128xf32>
    %add3A_109 = vector.broadcast %slice3A_103 : vector<1x128xf32> to vector<1024x128xf32>
    %add3A_110 = arith.addf %sub3A_108, %add3A_109 : vector<1024x128xf32>
    %lt3A_111 = arith.cmpf olt, %add3A_110, %select_n3A_98 : vector<1024x128xf32>
    %select_n3A_112 = arith.select %lt3A_111, %add3A_110, %select_n3A_98 : vector<1024x128xi1>, vector<1024x128xf32>
    %broadcast_in_dim3A_113 = arith.constant 7 : i32
    %broadcast_in_dim3A_114 = vector.broadcast %broadcast_in_dim3A_113 : i32 to vector<1024x128xi32>
    %select_n3A_115 = arith.select %lt3A_111, %broadcast_in_dim3A_114, %select_n3A_101 : vector<1024x128xi1>, vector<1024x128xi32>
    %slice3A_116 = vector.extract_strided_slice %dot_general3A_6 {offsets = [0, 1024], sizes = [1024, 128], strides = [1, 1]} : vector<1024x2048xf32> to vector<1024x128xf32>
    %slice3A_117 = vector.extract_strided_slice %broadcast_in_dim3A_11 {offsets = [0, 1024], sizes = [1, 128], strides = [1, 1]} : vector<1x2048xf32> to vector<1x128xf32>
    %mul3A_118 = arith.constant 2.000000e+00 : f32
    %mul3A_119 = vector.broadcast %mul3A_118 : f32 to vector<1024x128xf32>
    %mul3A_120 = arith.mulf %mul3A_119, %slice3A_116 : vector<1024x128xf32>
    %sub3A_121 = vector.broadcast %broadcast_in_dim3A : vector<1024x1xf32> to vector<1024x128xf32>
    %sub3A_122 = arith.subf %sub3A_121, %mul3A_120 : vector<1024x128xf32>
    %add3A_123 = vector.broadcast %slice3A_117 : vector<1x128xf32> to vector<1024x128xf32>
    %add3A_124 = arith.addf %sub3A_122, %add3A_123 : vector<1024x128xf32>
    %lt3A_125 = arith.cmpf olt, %add3A_124, %select_n3A_112 : vector<1024x128xf32>
    %select_n3A_126 = arith.select %lt3A_125, %add3A_124, %select_n3A_112 : vector<1024x128xi1>, vector<1024x128xf32>
    %broadcast_in_dim3A_127 = arith.constant 8 : i32
    %broadcast_in_dim3A_128 = vector.broadcast %broadcast_in_dim3A_127 : i32 to vector<1024x128xi32>
    %select_n3A_129 = arith.select %lt3A_125, %broadcast_in_dim3A_128, %select_n3A_115 : vector<1024x128xi1>, vector<1024x128xi32>
    %slice3A_130 = vector.extract_strided_slice %dot_general3A_6 {offsets = [0, 1152], sizes = [1024, 128], strides = [1, 1]} : vector<1024x2048xf32> to vector<1024x128xf32>
    %slice3A_131 = vector.extract_strided_slice %broadcast_in_dim3A_11 {offsets = [0, 1152], sizes = [1, 128], strides = [1, 1]} : vector<1x2048xf32> to vector<1x128xf32>
    %mul3A_132 = arith.constant 2.000000e+00 : f32
    %mul3A_133 = vector.broadcast %mul3A_132 : f32 to vector<1024x128xf32>
    %mul3A_134 = arith.mulf %mul3A_133, %slice3A_130 : vector<1024x128xf32>
    %sub3A_135 = vector.broadcast %broadcast_in_dim3A : vector<1024x1xf32> to vector<1024x128xf32>
    %sub3A_136 = arith.subf %sub3A_135, %mul3A_134 : vector<1024x128xf32>
    %add3A_137 = vector.broadcast %slice3A_131 : vector<1x128xf32> to vector<1024x128xf32>
    %add3A_138 = arith.addf %sub3A_136, %add3A_137 : vector<1024x128xf32>
    %lt3A_139 = arith.cmpf olt, %add3A_138, %select_n3A_126 : vector<1024x128xf32>
    %select_n3A_140 = arith.select %lt3A_139, %add3A_138, %select_n3A_126 : vector<1024x128xi1>, vector<1024x128xf32>
    %broadcast_in_dim3A_141 = arith.constant 9 : i32
    %broadcast_in_dim3A_142 = vector.broadcast %broadcast_in_dim3A_141 : i32 to vector<1024x128xi32>
    %select_n3A_143 = arith.select %lt3A_139, %broadcast_in_dim3A_142, %select_n3A_129 : vector<1024x128xi1>, vector<1024x128xi32>
    %slice3A_144 = vector.extract_strided_slice %dot_general3A_6 {offsets = [0, 1280], sizes = [1024, 128], strides = [1, 1]} : vector<1024x2048xf32> to vector<1024x128xf32>
    %slice3A_145 = vector.extract_strided_slice %broadcast_in_dim3A_11 {offsets = [0, 1280], sizes = [1, 128], strides = [1, 1]} : vector<1x2048xf32> to vector<1x128xf32>
    %mul3A_146 = arith.constant 2.000000e+00 : f32
    %mul3A_147 = vector.broadcast %mul3A_146 : f32 to vector<1024x128xf32>
    %mul3A_148 = arith.mulf %mul3A_147, %slice3A_144 : vector<1024x128xf32>
    %sub3A_149 = vector.broadcast %broadcast_in_dim3A : vector<1024x1xf32> to vector<1024x128xf32>
    %sub3A_150 = arith.subf %sub3A_149, %mul3A_148 : vector<1024x128xf32>
    %add3A_151 = vector.broadcast %slice3A_145 : vector<1x128xf32> to vector<1024x128xf32>
    %add3A_152 = arith.addf %sub3A_150, %add3A_151 : vector<1024x128xf32>
    %lt3A_153 = arith.cmpf olt, %add3A_152, %select_n3A_140 : vector<1024x128xf32>
    %select_n3A_154 = arith.select %lt3A_153, %add3A_152, %select_n3A_140 : vector<1024x128xi1>, vector<1024x128xf32>
    %broadcast_in_dim3A_155 = arith.constant 10 : i32
    %broadcast_in_dim3A_156 = vector.broadcast %broadcast_in_dim3A_155 : i32 to vector<1024x128xi32>
    %select_n3A_157 = arith.select %lt3A_153, %broadcast_in_dim3A_156, %select_n3A_143 : vector<1024x128xi1>, vector<1024x128xi32>
    %slice3A_158 = vector.extract_strided_slice %dot_general3A_6 {offsets = [0, 1408], sizes = [1024, 128], strides = [1, 1]} : vector<1024x2048xf32> to vector<1024x128xf32>
    %slice3A_159 = vector.extract_strided_slice %broadcast_in_dim3A_11 {offsets = [0, 1408], sizes = [1, 128], strides = [1, 1]} : vector<1x2048xf32> to vector<1x128xf32>
    %mul3A_160 = arith.constant 2.000000e+00 : f32
    %mul3A_161 = vector.broadcast %mul3A_160 : f32 to vector<1024x128xf32>
    %mul3A_162 = arith.mulf %mul3A_161, %slice3A_158 : vector<1024x128xf32>
    %sub3A_163 = vector.broadcast %broadcast_in_dim3A : vector<1024x1xf32> to vector<1024x128xf32>
    %sub3A_164 = arith.subf %sub3A_163, %mul3A_162 : vector<1024x128xf32>
    %add3A_165 = vector.broadcast %slice3A_159 : vector<1x128xf32> to vector<1024x128xf32>
    %add3A_166 = arith.addf %sub3A_164, %add3A_165 : vector<1024x128xf32>
    %lt3A_167 = arith.cmpf olt, %add3A_166, %select_n3A_154 : vector<1024x128xf32>
    %select_n3A_168 = arith.select %lt3A_167, %add3A_166, %select_n3A_154 : vector<1024x128xi1>, vector<1024x128xf32>
    %broadcast_in_dim3A_169 = arith.constant 11 : i32
    %broadcast_in_dim3A_170 = vector.broadcast %broadcast_in_dim3A_169 : i32 to vector<1024x128xi32>
    %select_n3A_171 = arith.select %lt3A_167, %broadcast_in_dim3A_170, %select_n3A_157 : vector<1024x128xi1>, vector<1024x128xi32>
    %slice3A_172 = vector.extract_strided_slice %dot_general3A_6 {offsets = [0, 1536], sizes = [1024, 128], strides = [1, 1]} : vector<1024x2048xf32> to vector<1024x128xf32>
    %slice3A_173 = vector.extract_strided_slice %broadcast_in_dim3A_11 {offsets = [0, 1536], sizes = [1, 128], strides = [1, 1]} : vector<1x2048xf32> to vector<1x128xf32>
    %mul3A_174 = arith.constant 2.000000e+00 : f32
    %mul3A_175 = vector.broadcast %mul3A_174 : f32 to vector<1024x128xf32>
    %mul3A_176 = arith.mulf %mul3A_175, %slice3A_172 : vector<1024x128xf32>
    %sub3A_177 = vector.broadcast %broadcast_in_dim3A : vector<1024x1xf32> to vector<1024x128xf32>
    %sub3A_178 = arith.subf %sub3A_177, %mul3A_176 : vector<1024x128xf32>
    %add3A_179 = vector.broadcast %slice3A_173 : vector<1x128xf32> to vector<1024x128xf32>
    %add3A_180 = arith.addf %sub3A_178, %add3A_179 : vector<1024x128xf32>
    %lt3A_181 = arith.cmpf olt, %add3A_180, %select_n3A_168 : vector<1024x128xf32>
    %select_n3A_182 = arith.select %lt3A_181, %add3A_180, %select_n3A_168 : vector<1024x128xi1>, vector<1024x128xf32>
    %broadcast_in_dim3A_183 = arith.constant 12 : i32
    %broadcast_in_dim3A_184 = vector.broadcast %broadcast_in_dim3A_183 : i32 to vector<1024x128xi32>
    %select_n3A_185 = arith.select %lt3A_181, %broadcast_in_dim3A_184, %select_n3A_171 : vector<1024x128xi1>, vector<1024x128xi32>
    %slice3A_186 = vector.extract_strided_slice %dot_general3A_6 {offsets = [0, 1664], sizes = [1024, 128], strides = [1, 1]} : vector<1024x2048xf32> to vector<1024x128xf32>
    %slice3A_187 = vector.extract_strided_slice %broadcast_in_dim3A_11 {offsets = [0, 1664], sizes = [1, 128], strides = [1, 1]} : vector<1x2048xf32> to vector<1x128xf32>
    %mul3A_188 = arith.constant 2.000000e+00 : f32
    %mul3A_189 = vector.broadcast %mul3A_188 : f32 to vector<1024x128xf32>
    %mul3A_190 = arith.mulf %mul3A_189, %slice3A_186 : vector<1024x128xf32>
    %sub3A_191 = vector.broadcast %broadcast_in_dim3A : vector<1024x1xf32> to vector<1024x128xf32>
    %sub3A_192 = arith.subf %sub3A_191, %mul3A_190 : vector<1024x128xf32>
    %add3A_193 = vector.broadcast %slice3A_187 : vector<1x128xf32> to vector<1024x128xf32>
    %add3A_194 = arith.addf %sub3A_192, %add3A_193 : vector<1024x128xf32>
    %lt3A_195 = arith.cmpf olt, %add3A_194, %select_n3A_182 : vector<1024x128xf32>
    %select_n3A_196 = arith.select %lt3A_195, %add3A_194, %select_n3A_182 : vector<1024x128xi1>, vector<1024x128xf32>
    %broadcast_in_dim3A_197 = arith.constant 13 : i32
    %broadcast_in_dim3A_198 = vector.broadcast %broadcast_in_dim3A_197 : i32 to vector<1024x128xi32>
    %select_n3A_199 = arith.select %lt3A_195, %broadcast_in_dim3A_198, %select_n3A_185 : vector<1024x128xi1>, vector<1024x128xi32>
    %slice3A_200 = vector.extract_strided_slice %dot_general3A_6 {offsets = [0, 1792], sizes = [1024, 128], strides = [1, 1]} : vector<1024x2048xf32> to vector<1024x128xf32>
    %slice3A_201 = vector.extract_strided_slice %broadcast_in_dim3A_11 {offsets = [0, 1792], sizes = [1, 128], strides = [1, 1]} : vector<1x2048xf32> to vector<1x128xf32>
    %mul3A_202 = arith.constant 2.000000e+00 : f32
    %mul3A_203 = vector.broadcast %mul3A_202 : f32 to vector<1024x128xf32>
    %mul3A_204 = arith.mulf %mul3A_203, %slice3A_200 : vector<1024x128xf32>
    %sub3A_205 = vector.broadcast %broadcast_in_dim3A : vector<1024x1xf32> to vector<1024x128xf32>
    %sub3A_206 = arith.subf %sub3A_205, %mul3A_204 : vector<1024x128xf32>
    %add3A_207 = vector.broadcast %slice3A_201 : vector<1x128xf32> to vector<1024x128xf32>
    %add3A_208 = arith.addf %sub3A_206, %add3A_207 : vector<1024x128xf32>
    %lt3A_209 = arith.cmpf olt, %add3A_208, %select_n3A_196 : vector<1024x128xf32>
    %select_n3A_210 = arith.select %lt3A_209, %add3A_208, %select_n3A_196 : vector<1024x128xi1>, vector<1024x128xf32>
    %broadcast_in_dim3A_211 = arith.constant 14 : i32
    %broadcast_in_dim3A_212 = vector.broadcast %broadcast_in_dim3A_211 : i32 to vector<1024x128xi32>
    %select_n3A_213 = arith.select %lt3A_209, %broadcast_in_dim3A_212, %select_n3A_199 : vector<1024x128xi1>, vector<1024x128xi32>
    %slice3A_214 = vector.extract_strided_slice %dot_general3A_6 {offsets = [0, 1920], sizes = [1024, 128], strides = [1, 1]} : vector<1024x2048xf32> to vector<1024x128xf32>
    %slice3A_215 = vector.extract_strided_slice %broadcast_in_dim3A_11 {offsets = [0, 1920], sizes = [1, 128], strides = [1, 1]} : vector<1x2048xf32> to vector<1x128xf32>
    %mul3A_216 = arith.constant 2.000000e+00 : f32
    %mul3A_217 = vector.broadcast %mul3A_216 : f32 to vector<1024x128xf32>
    %mul3A_218 = arith.mulf %mul3A_217, %slice3A_214 : vector<1024x128xf32>
    %sub3A_219 = vector.broadcast %broadcast_in_dim3A : vector<1024x1xf32> to vector<1024x128xf32>
    %sub3A_220 = arith.subf %sub3A_219, %mul3A_218 : vector<1024x128xf32>
    %add3A_221 = vector.broadcast %slice3A_215 : vector<1x128xf32> to vector<1024x128xf32>
    %add3A_222 = arith.addf %sub3A_220, %add3A_221 : vector<1024x128xf32>
    %lt3A_223 = arith.cmpf olt, %add3A_222, %select_n3A_210 : vector<1024x128xf32>
    %select_n3A_224 = arith.select %lt3A_223, %add3A_222, %select_n3A_210 : vector<1024x128xi1>, vector<1024x128xf32>
    %broadcast_in_dim3A_225 = arith.constant 15 : i32
    %broadcast_in_dim3A_226 = vector.broadcast %broadcast_in_dim3A_225 : i32 to vector<1024x128xi32>
    %select_n3A_227 = arith.select %lt3A_223, %broadcast_in_dim3A_226, %select_n3A_213 : vector<1024x128xi1>, vector<1024x128xi32>
    %reduce_min3A = arith.constant dense<0x7F800000> : vector<1024xf32>
    %reduce_min3A_228 = vector.multi_reduction <minimumf>, %select_n3A_224, %reduce_min3A [1] : vector<1024x128xf32> to vector<1024xf32>
    %broadcast_in_dim3A_229 = vector.shape_cast %reduce_min3A_228 : vector<1024xf32> to vector<1024x1xf32>
    %mul3A_230 = arith.constant 128 : i32
    %mul3A_231 = vector.broadcast %mul3A_230 : i32 to vector<1024x128xi32>
    %mul3A_232 = arith.muli %select_n3A_227, %mul3A_231 : vector<1024x128xi32>
    %iota3A = tpu.iota {dimensions = array<i32: 1>} : vector<1024x128xi32>
    %add3A_233 = arith.addi %mul3A_232, %iota3A : vector<1024x128xi32>
    %eq3A = vector.broadcast %broadcast_in_dim3A_229 : vector<1024x1xf32> to vector<1024x128xf32>
    %eq3A_234 = arith.cmpf oeq, %select_n3A_224, %eq3A : vector<1024x128xf32>
    %jit3A = arith.constant 8192 : i32
    %broadcast_in_dim3A_235 = vector.broadcast %jit3A : i32 to vector<1024x128xi32>
    %select_n3A_236 = arith.select %eq3A_234, %add3A_233, %broadcast_in_dim3A_235 : vector<1024x128xi1>, vector<1024x128xi32>
    %reduce_min3A_237 = arith.constant dense<2147483647> : vector<1024xi32>
    %reduce_min3A_238 = vector.multi_reduction <minsi>, %select_n3A_236, %reduce_min3A_237 [1] : vector<1024x128xi32> to vector<1024xi32>
    %broadcast_in_dim3A_239 = vector.shape_cast %reduce_min3A_238 : vector<1024xi32> to vector<1024x1xi32>
    %mul3A_240 = arith.constant 2048 : i32
    %mul3A_241 = arith.muli %arg1, %mul3A_240 : i32
    %add3A_242 = vector.broadcast %mul3A_241 : i32 to vector<1024x1xi32>
    %add3A_243 = arith.addi %broadcast_in_dim3A_239, %add3A_242 : vector<1024x1xi32>
    %eq3A_244 = arith.constant 0 : i32
    %eq3A_245 = arith.cmpi eq, %arg1, %eq3A_244 : i32
    %convert_element_type3A_246 = arith.extui %eq3A_245 : i1 to i32
    %cond3A = arith.constant 0 : i32
    %cond3A_247 = arith.cmpi ne, %convert_element_type3A_246, %cond3A : i32
    scf.if %cond3A_247 {
      %swap3A = arith.constant 0 : index
      %swap3A_262 = arith.constant 0 : index
      %swap3A_263 = vector.load %arg6[%swap3A, %swap3A_262] : memref<1024x1xf32, #tpu.memory_space<vmem>>, vector<1024x1xf32>
      tpu.vector_store %arg6[%swap3A, %swap3A_262], %broadcast_in_dim3A_229 {strides = array<i32>} : memref<1024x1xf32, #tpu.memory_space<vmem>>, vector<1024x1xf32>,
      %swap3A_264 = arith.constant 0 : index
      %swap3A_265 = arith.constant 0 : index
      %swap3A_266 = vector.load %arg7[%swap3A_264, %swap3A_265] : memref<1024x1xi32, #tpu.memory_space<vmem>>, vector<1024x1xi32>
      tpu.vector_store %arg7[%swap3A_264, %swap3A_265], %add3A_243 {strides = array<i32>} : memref<1024x1xi32, #tpu.memory_space<vmem>>, vector<1024x1xi32>,
    } else {
    }
    %gt3A = arith.constant 0 : i32
    %gt3A_248 = arith.cmpi sgt, %arg1, %gt3A : i32
    %convert_element_type3A_249 = arith.extui %gt3A_248 : i1 to i32
    %cond3A_250 = arith.constant 0 : i32
    %cond3A_251 = arith.cmpi ne, %convert_element_type3A_249, %cond3A_250 : i32
    scf.if %cond3A_251 {
      %get3A_262 = arith.constant 0 : index
      %get3A_263 = arith.constant 0 : index
      %get3A_264 = vector.load %arg6[%get3A_262, %get3A_263] : memref<1024x1xf32, #tpu.memory_space<vmem>>, vector<1024x1xf32>
      %lt3A_265 = arith.cmpf olt, %broadcast_in_dim3A_229, %get3A_264 : vector<1024x1xf32>
      %select_n3A_266 = arith.select %lt3A_265, %broadcast_in_dim3A_229, %get3A_264 : vector<1024x1xi1>, vector<1024x1xf32>
      %swap3A = arith.constant 0 : index
      %swap3A_267 = arith.constant 0 : index
      %swap3A_268 = vector.load %arg6[%swap3A, %swap3A_267] : memref<1024x1xf32, #tpu.memory_space<vmem>>, vector<1024x1xf32>
      tpu.vector_store %arg6[%swap3A, %swap3A_267], %select_n3A_266 {strides = array<i32>} : memref<1024x1xf32, #tpu.memory_space<vmem>>, vector<1024x1xf32>,
      %get3A_269 = arith.constant 0 : index
      %get3A_270 = arith.constant 0 : index
      %get3A_271 = vector.load %arg7[%get3A_269, %get3A_270] : memref<1024x1xi32, #tpu.memory_space<vmem>>, vector<1024x1xi32>
      %select_n3A_272 = arith.select %lt3A_265, %add3A_243, %get3A_271 : vector<1024x1xi1>, vector<1024x1xi32>
      %swap3A_273 = arith.constant 0 : index
      %swap3A_274 = arith.constant 0 : index
      %swap3A_275 = vector.load %arg7[%swap3A_273, %swap3A_274] : memref<1024x1xi32, #tpu.memory_space<vmem>>, vector<1024x1xi32>
      tpu.vector_store %arg7[%swap3A_273, %swap3A_274], %select_n3A_272 {strides = array<i32>} : memref<1024x1xi32, #tpu.memory_space<vmem>>, vector<1024x1xi32>,
    } else {
    }
    %eq3A_252 = arith.constant 1 : i32
    %eq3A_253 = arith.cmpi eq, %arg1, %eq3A_252 : i32
    %convert_element_type3A_254 = arith.extui %eq3A_253 : i1 to i32
    %cond3A_255 = arith.constant 0 : i32
    %cond3A_256 = arith.cmpi ne, %convert_element_type3A_254, %cond3A_255 : i32
    scf.if %cond3A_256 {
      %get3A_262 = arith.constant 0 : index
      %get3A_263 = arith.constant 0 : index
      %get3A_264 = vector.load %arg6[%get3A_262, %get3A_263] : memref<1024x1xf32, #tpu.memory_space<vmem>>, vector<1024x1xf32>
      %convert_element_type3A_265 = arith.truncf %get3A_264 : vector<1024x1xf32> to vector<1024x1xbf16>
      %convert_element_type3A_266 = arith.extf %convert_element_type3A_265 : vector<1024x1xbf16> to vector<1024x1xf32>
      %swap3A = arith.constant 0 : index
      %swap3A_267 = arith.constant 0 : index
      %swap3A_268 = vector.load %arg6[%swap3A, %swap3A_267] : memref<1024x1xf32, #tpu.memory_space<vmem>>, vector<1024x1xf32>
      tpu.vector_store %arg6[%swap3A, %swap3A_267], %convert_element_type3A_266 {strides = array<i32>} : memref<1024x1xf32, #tpu.memory_space<vmem>>, vector<1024x1xf32>,
    } else {
    }
    %eq3A_257 = arith.constant 3 : i32
    %eq3A_258 = arith.cmpi eq, %arg1, %eq3A_257 : i32
    %convert_element_type3A_259 = arith.extui %eq3A_258 : i1 to i32
    %cond3A_260 = arith.constant 0 : i32
    %cond3A_261 = arith.cmpi ne, %convert_element_type3A_259, %cond3A_260 : i32
    scf.if %cond3A_261 {
      %get3A_262 = arith.constant 0 : index
      %get3A_263 = arith.constant 0 : index
      %get3A_264 = vector.load %arg7[%get3A_262, %get3A_263] : memref<1024x1xi32, #tpu.memory_space<vmem>>, vector<1024x1xi32>
      %swap3A = arith.constant 0 : index
      %swap3A_265 = arith.constant 0 : index
      %swap3A_266 = vector.load %arg4[%swap3A, %swap3A_265] : memref<1024x1xi32, #tpu.memory_space<vmem>>, vector<1024x1xi32>
      tpu.vector_store %arg4[%swap3A, %swap3A_265], %get3A_264 {strides = array<i32>} : memref<1024x1xi32, #tpu.memory_space<vmem>>, vector<1024x1xi32>,
      %get3A_267 = arith.constant 0 : index
      %get3A_268 = arith.constant 0 : index
      %get3A_269 = vector.load %arg6[%get3A_267, %get3A_268] : memref<1024x1xf32, #tpu.memory_space<vmem>>, vector<1024x1xf32>
      %reduce_sum3A_270 = vector.shape_cast %get3A_269 : vector<1024x1xf32> to vector<1x1024x1xf32>
      %reduce_sum3A_271 = arith.constant dense<0.000000e+00> : vector<1xf32>
      %reduce_sum3A_272 = vector.multi_reduction <add>, %reduce_sum3A_270, %reduce_sum3A_271 [1, 2] : vector<1x1024x1xf32> to vector<1xf32>
      %reduce_sum3A_273 = vector.shape_cast %reduce_sum3A_272 : vector<1xf32> to vector<1x1x1xf32>
      %reduce_sum3A_274 = vector.extract %reduce_sum3A_273[0, 0, 0] : f32 from vector<1x1x1xf32>
      %reshape3A = vector.broadcast %reduce_sum3A_274 : f32 to vector<1x1xf32>
      %eq3A_275 = arith.constant 0 : i32
      %eq3A_276 = arith.cmpi eq, %arg0, %eq3A_275 : i32
      %convert_element_type3A_277 = arith.extui %eq3A_276 : i1 to i32
      %cond3A_278 = arith.constant 0 : i32
      %cond3A_279 = arith.cmpi ne, %convert_element_type3A_277, %cond3A_278 : i32
      scf.if %cond3A_279 {
        %swap3A_285 = arith.constant 0 : index
        %swap3A_286 = arith.constant 0 : index
        %swap3A_287 = vector.load %arg5[%swap3A_285, %swap3A_286] : memref<1x1xf32, #tpu.memory_space<vmem>>, vector<1x1xf32>
        tpu.vector_store %arg5[%swap3A_285, %swap3A_286], %reshape3A {strides = array<i32>} : memref<1x1xf32, #tpu.memory_space<vmem>>, vector<1x1xf32>,
      } else {
      }
      %gt3A_280 = arith.constant 0 : i32
      %gt3A_281 = arith.cmpi sgt, %arg0, %gt3A_280 : i32
      %convert_element_type3A_282 = arith.extui %gt3A_281 : i1 to i32
      %cond3A_283 = arith.constant 0 : i32
      %cond3A_284 = arith.cmpi ne, %convert_element_type3A_282, %cond3A_283 : i32
      scf.if %cond3A_284 {
        %get3A_285 = arith.constant 0 : index
        %get3A_286 = arith.constant 0 : index
        %get3A_287 = vector.load %arg5[%get3A_285, %get3A_286] : memref<1x1xf32, #tpu.memory_space<vmem>>, vector<1x1xf32>
        %add3A_288 = arith.addf %get3A_287, %reshape3A : vector<1x1xf32>
        %swap3A_289 = arith.constant 0 : index
        %swap3A_290 = arith.constant 0 : index
        %swap3A_291 = vector.load %arg5[%swap3A_289, %swap3A_290] : memref<1x1xf32, #tpu.memory_space<vmem>>, vector<1x1xf32>
        tpu.vector_store %arg5[%swap3A_289, %swap3A_290], %add3A_288 {strides = array<i32>} : memref<1x1xf32, #tpu.memory_space<vmem>>, vector<1x1xf32>,
      } else {
      }
    } else {
    }
    return
  }
  func.func @transform_0(%arg0: i32, %arg1: i32) -> (i32, i32) {
    %c0_i32 = arith.constant 0 : i32
    %c0_i32_0 = arith.constant 0 : i32
    return %arg0, %c0_i32 : i32, i32
  }
  func.func @transform_1(%arg0: i32, %arg1: i32) -> (i32, i32) {
    %c0_i32 = arith.constant 0 : i32
    %c0_i32_0 = arith.constant 0 : i32
    return %arg1, %c0_i32 : i32, i32
  }
  func.func @transform_2(%arg0: i32, %arg1: i32) -> (i32, i32) {
    %c0_i32 = arith.constant 0 : i32
    %c0_i32_0 = arith.constant 0 : i32
    return %arg0, %c0_i32 : i32, i32
  }
  func.func @transform_3(%arg0: i32, %arg1: i32) -> (i32, i32) {
    %c0_i32 = arith.constant 0 : i32
    %c0_i32_0 = arith.constant 0 : i32
    %c0_i32_1 = arith.constant 0 : i32
    return %c0_i32, %c0_i32_0 : i32, i32
  }
}

</mosaic_0001>

<sc_bundles>
// kernel: kernel.4.cloned.1.call-start
scs
__scs_entry_jumppad:
0x0: {  	(pc) =	sbr.rel $0x88, $3  }
0x1: {  	(tag) =	ssettag $0x0;
	lr =	simm.s32 $0x1  }
0x2: {  	[smem:$0x3F9F] =	sst lr;
	_ =	strace $0xD0000000  }
0x3: {  	_ = 	snop  }
0x4: {  	_ = 	snop  }
0x5: {  	_ = 	snop  }
0x6: {  	_ = 	snop  }
0x7: {  	_ = 	snop  }
__scs_overlays_trampoline_lowered:
0x8: {  	[smem:$0x3FAE] =	sst s0  }
0x9: {  	[smem:$0x3FAF] =	sst s1  }
0xa: {  	[smem:$0x3FB0] =	sst s2  }
0xb: {  	[smem:$0x3FB1] =	sst s3  }
0xc: {  	[smem:$0x3FB2] =	sst s4  }
0xd: {  	[smem:$0x3FB3] =	sst s5  }
0xe: {  	[smem:$0x3FB4] =	sst s6  }
0xf: {  	[smem:$0x3FB5] =	sst s7  }
0x10: {  	[smem:$0x3FB6] =	sst s8  }
0x11: {  	[smem:$0x3FB7] =	sst s9;
	s0 =	simm.s32 @!p0 $0x0  }
0x12: {  	s1 =	sld [smem:$0x3F9D];
	s0 =	simm.s32 @p0 $0x1  }
0x13: {  	[smem:$0x3FB8] =	sst s0;
	s0 =	simm.s32 @!p1 $0x0  }
0x14: {  	s2 =	sld [smem:$0x3F9C];
	s0 =	simm.s32 @p1 $0x1  }
0x15: {  	[smem:$0x3FB9] =	sst s0;
	s0 =	simm.s32 @!p2 $0x0  }
0x16: {  	s3 =	sld [smem:$0x3FDB];
	s0 =	simm.s32 @p2 $0x1  }
0x17: {  	s4 =	simm.s32 $0x1BF5;
	[smem:$0x3FBB] =	sst s0  }
0x18: {  	s0 =	sld [smem:$0x3F9E];
	_ =	swait.ge [sflag:s4], $0x0  }
0x19: {  	s7 =	sld [smem:$0x3F9F]  }
0x1a: {  	s8 =	sadd.s32 $0xFFFFE003, lr  }
0x1b: {  	s9 =	sadd.s32 $0xFFFFFEF7, lr;
	s5 =	simm.s32 $0xFFFFFFFF;
	p2 =	slt.u32 s8, $0xFFFFF086  }
0x1c: {  	p1 =	slt.u32 s9, $0xF7A;
	s5 =	simm.s32 @!p2 $0x0  }
0x1d: {  	s5 =	simm.s32 @p1 $0x1;
	p0 =	seq.s32 s7, s2  }
0x1e: {  	s7 =	smul.u32 @!p0 $0xF7A, s2;
	p2 =	seq.s32 @!p0 s5, $0x0  }
0x1f: {  	s9 =	smul.u32 $0xF7A, s1;
	s8 =	simm.s32 @!p0 $0x1BF5;
	p2 =	por !p2, p0  }
0x20: {  	[sflag:s8] =	ssyncset.s32 @!p0 $0xFFFFF086;
	s6 =	sadd.s32 @!p0 s3, s7;
	s7 =	simm.s32 @!p0 $0x108  }
0x21: {  	s3 =	sadd.s32 s3, s9;
	s6 =	sadd.s32 @!p0 $0x88, s6;
	s7 =	simm.s32 @p2 $0x1082  }
0x22: {  	[simem:s7], [sflag:s8] =	dma.local @!p0 [hbm:s6], $0xF7A  }
0x23: {  	s9 =	sor.u32 $0xD0000000, s2;
	s6 =	simm.s32 $0x108;
	_ =	swait.ge @!p0 [sflag:s8], $0x0  }
0x24: {  	s3 =	sadd.s32 $0x88, s3;
	s6 =	simm.s32 @!p1 $0x1082;
	[sflag:s4] =	ssyncset.s32 $0xFFFFF086  }
0x25: {  	[simem:s6], [sflag:s4] =	dma.local [hbm:s3], $0xF7A  }
0x26: {  	[smem:$0x3F9F] =	sst s1;
	(tag) =	ssettag s2;
	_ =	strace s9  }
0x27: {  	s1 =	sld [smem:$0x3FAF]  }
0x28: {  	s2 =	sld [smem:$0x3FB0]  }
0x29: {  	s4 =	sld [smem:$0x3FB2]  }
0x2a: {  	p0 =	seq.s32 s5, $0x0;
	s5 =	sld [smem:$0x3FB3]  }
0x2b: {  	s6 =	sld [smem:$0x3FB4]  }
0x2c: {  	s7 =	sld [smem:$0x3FB5]  }
0x2d: {  	s3 =	simm.s32 $0x108;
	s8 =	sld [smem:$0x3FB6]  }
0x2e: {  	s3 =	simm.s32 @!p0 $0x1082;
	s9 =	sld [smem:$0x3FB7]  }
0x2f: {  	lr =	sadd.s32 s0, s3;
	s0 =	sld [smem:$0x3FAE]  }
0x30: {  	s3 =	sld [smem:$0x3FB1]  }
0x31: {  	[smem:$0x3FBA] =	sst s10  }
0x32: {  	s10 =	sld [smem:$0x3FB8];
	_ =	sdelay $0x3  }
0x33: {  	p0 =	seq.s32 s10, $0x1;
	s10 =	sld [smem:$0x3FBA];
	_ =	sdelay $0x3  }
0x34: {  	[smem:$0x3FBA] =	sst s10  }
0x35: {  	s10 =	sld [smem:$0x3FB9];
	_ =	sdelay $0x3  }
0x36: {  	p1 =	seq.s32 s10, $0x1;
	s10 =	sld [smem:$0x3FBA];
	_ =	sdelay $0x3  }
0x37: {  	[smem:$0x3FBA] =	sst s10  }
0x38: {  	s10 =	sld [smem:$0x3FBB]  }
0x39: {  	_ = 	snop;
	(pc) =	sbr.ind lr, $3  }
0x3a: {  	_ = 	snop  }
0x3b: {  	_ = 	snop  }
0x3c: {  	p2 =	seq.s32 s10, $0x1;
	s10 =	sld [smem:$0x3FBA]  }
0x3d: {  	_ =	shalt  }
0x3e: {  	_ =	shalt  }
0x3f: {  	_ =	shalt  }
0x40: {  	_ =	shalt  }
0x41: {  	_ =	shalt  }
0x42: {  	_ =	shalt  }
0x43: {  	_ =	shalt  }
0x44: {  	_ =	shalt  }
0x45: {  	_ =	shalt  }
0x46: {  	_ =	shalt  }
0x47: {  	_ =	shalt  }
0x48: {  	_ =	shalt  }
0x49: {  	_ =	shalt  }
0x4a: {  	_ =	shalt  }
0x4b: {  	_ =	shalt  }
0x4c: {  	_ =	shalt  }
0x4d: {  	_ =	shalt  }
0x4e: {  	_ =	shalt  }
0x4f: {  	_ =	shalt  }
0x50: {  	_ =	shalt  }
0x51: {  	_ =	shalt  }
0x52: {  	_ =	shalt  }
0x53: {  	_ =	shalt  }
0x54: {  	_ =	shalt  }
0x55: {  	_ =	shalt  }
0x56: {  	_ =	shalt  }
0x57: {  	_ =	shalt  }
0x58: {  	_ =	shalt  }
0x59: {  	_ =	shalt  }
0x5a: {  	_ =	shalt  }
0x5b: {  	_ =	shalt  }
0x5c: {  	_ =	shalt  }
0x5d: {  	_ =	shalt  }
0x5e: {  	_ =	shalt  }
0x5f: {  	_ =	shalt  }
0x60: {  	_ =	shalt  }
0x61: {  	_ =	shalt  }
0x62: {  	_ =	shalt  }
0x63: {  	_ =	shalt  }
0x64: {  	_ =	shalt  }
0x65: {  	_ =	shalt  }
0x66: {  	_ =	shalt  }
0x67: {  	_ =	shalt  }
0x68: {  	_ =	shalt  }
0x69: {  	_ =	shalt  }
0x6a: {  	_ =	shalt  }
0x6b: {  	_ =	shalt  }
0x6c: {  	_ =	shalt  }
0x6d: {  	_ =	shalt  }
0x6e: {  	_ =	shalt  }
0x6f: {  	_ =	shalt  }
0x70: {  	_ =	shalt  }
0x71: {  	_ =	shalt  }
0x72: {  	_ =	shalt  }
0x73: {  	_ =	shalt  }
0x74: {  	_ =	shalt  }
0x75: {  	_ =	shalt  }
0x76: {  	_ =	shalt  }
0x77: {  	_ =	shalt  }
0x78: {  	_ =	shalt  }
0x79: {  	_ =	shalt  }
0x7a: {  	_ =	shalt  }
0x7b: {  	_ =	shalt  }
0x7c: {  	_ =	shalt  }
0x7d: {  	_ =	shalt  }
0x7e: {  	_ =	shalt  }
0x7f: {  	_ =	shalt  }
0x80: {  	_ =	shalt  }
0x81: {  	_ =	shalt  }
0x82: {  	_ =	shalt  }
0x83: {  	_ =	shalt  }
0x84: {  	_ =	shalt  }
0x85: {  	_ =	shalt  }
0x86: {  	_ =	shalt  }
0x87: {  	_ =	shalt  }
.Lfunc_end0:
.L_simem_size_0:
called_computation_lowered:
.L_overlay_start_0:
0x88: {  	s2 =	sld [smem:$0x3FD9]  }
0x89: {  	s3 =	sld [smem:$0x3FFE];
	_ =	sdelay $0x1  }
0x8a: {  	s1 =	srdreg.scid  }
0x8b: {  	s0 =	sand.u32 $0x1, s1  }
0x8c: {  	s14 =	sshll.u32 s0, $0xA;
	s2 =	sadd.s32 s3, s2  }
0x8d: {  	s2 =	sadd.s32 s2, s14  }
0x8e: {  	[smem:$0x3FC6] =	sst s2  }
0x8f: {  	_ = 	snop  }
0x90: {  	s2 =	sld [smem:$0x3FD0];
	_ =	sdelay $0x2  }
0x91: {  	s15 =	simm.s32 $0xA;
	s4 =	simm.s32 $0x10  }
0x92: {  	[smem:s4], [sflag:s15] =	dma.local [hbm:s2], $0x1  }
0x93: {  	_ =	swait.eq [sflag:s15], $0x1  }
0x94: {  	[sflag:s15] =	ssyncset.done $0x0  }
0x95: {  	[sflag:s15] =	ssyncadd.s32 $0xFFFFFFFF  }
0x96: {  	s16 =	sld [smem:$0x10];
	(tm) =	ssettm $0x1  }
0x97: {  	s17 =	sld [smem:$0x3FFB];
	_ =	sdelay $0x3  }
0x98: {  	_ =	strace s17  }
0x99: {  	s3 =	sld [smem:$0x3FFC];
	_ =	sdelay $0x3  }
0x9a: {  	_ =	strace s3  }
0x9b: {  	s3 =	sld [smem:$0x3FFD];
	_ =	sdelay $0x3  }
0x9c: {  	_ =	strace s3  }
0x9d: {  	_ =	strace $0x8FFFFFFF  }
0x9e: {  	s18 =	sld [smem:$0x3FDB];
	_ =	sdelay $0x1  }
0x9f: {  	s19 =	simm.s32 $_scs_section_size  }
0xa0: {  	s5 =	simm.s32 $_size__tile_overlayer_lowered;
	s6 =	simm.s32 $_tile_overlayer_lowered  }
0xa1: {  	s22 =	simm.s32 $0x1BFF;
	s21 =	sshll.u32 s6, $0x1;
	s3 =	sadd.s32 s19, s18  }
0xa2: {  	s7 =	simm.s32 $0x0;
	s20 =	sshll.u32 s5, $0x1;
	s5 =	sadd.s32 s21, s3  }
0xa3: {  	[timem:s7], [sflag:s22] =	dma.local [hbm:s5], s20  }
0xa4: {  	_ =	swait.ge [sflag:s22], s20  }
0xa5: {  	s4 =	ssub.s32 $0x0, s20;
	[sflag:s22] =	ssyncset.done $0x0  }
0xa6: {  	[sflag:s22] =	ssyncadd.s32 s4;
	_ =	sdelay $0x1  }
0xa7: {  	s23 =	simm.s32 $0x1B8B  }
0xa8: {  	_ =	swait.ge [sflag:s23], $0x1  }
0xa9: {  	[sflag:s23] =	ssyncset.done $0x0  }
0xaa: {  	s25 =	simm.s32 $0x1B8E;
	s24 =	sld [smem:$0x3FFE];
	[sflag:s23] =	ssyncadd.s32 $0xFFFFFFFF  }
0xab: {  	s26 =	simm.s32 $execute0_lowered;
	[smem:$0x3FD2] =	sst s25  }
0xac: {  	s5 =	sshll.u32 s26, $0x1;
	_ =	strace $0x80000046;
	[dreg:$0x1] =	wrdreg $0xFFFFFFFF  }
0xad: {  	s28 =	simm.s32 $_size_execute0_lowered;
	s3 =	sadd.s32 s3, s5;
	[dreg:$0x0] =	wrdreg $0x0  }
0xae: {  	s5 =	sshll.u32 s28, $0x1;
	[dreg:$0x2] =	wrdreg s3  }
0xaf: {  	[dreg:$0x3] =	wrdreg s5  }
0xb0: {  	[dreg:$0x4] =	wrdreg $0xC0  }
0xb1: {  	_ =	task [dreg:s7], $0x5FFFF  }
0xb2: {  	[dreg:$0x1] =	wrdreg $0xFFFFFFFF  }
0xb3: {  	[dreg:$0x0] =	wrdreg $0x60  }
0xb4: {  	[dreg:$0x2] =	wrdreg s24  }
0xb5: {  	[dreg:$0x3] =	wrdreg s16  }
0xb6: {  	[dreg:$0x4] =	wrdreg $0x9  }
0xb7: {  	_ =	task.clear_ibuf [dreg:s7], $0x5FFFF;
	_ =	strace $0x90000046  }
0xb8: {  	s29 =	simm.s32 $0x9;
	_ =	strace $0x80000048  }
0xb9: {  	_ =	swait.ge [sflag:s29], $0x1  }
0xba: {  	[sflag:s29] =	ssyncadd.s32 $0xFFFFFFFF  }
0xbb: {  	_ =	strace $0x90000048  }
0xbc: {  	_ =	sfence  }
0xbd: {  	s30 =	sld [smem:$0x0];
	_ =	sdelay $0x2  }
0xbe: {  	s31 =	sshll.u32 s1, $0xD;
	s1 =	sshrl.u32 s1, $0x2  }
0xbf: {  	s3 =	sand.u32 $0x4000, s31;
	s1 =	sadd.s32 s1, s30  }
0xc0: {  	s0 =	sor.u32 s3, s0;
	s1 =	sshll.u32 s1, $0x11  }
0xc1: {  	s0 =	sor.u32 s1, s0  }
0xc2: {  	s0 =	sadd.s32 $0x8F2B, s0  }
0xc3: {  	[sflag:s0] =	ssyncadd.remote.s32 $0x1  }
0xc4: {  	_ =	sfence.sel $0xFFFF  }
0xc5: {  	[dreg:$0x0] =	wrdreg $0xFFFFFFFF;
	(pc) =	sbr.abs _section_cstart, $3  }
0xc6: {  	[dreg:$0x1] =	wrdreg $0xFFFFFFFF  }
0xc7: {  	_ =	task.clear_ibuf [dreg:s7], $0x2FFFF;
	_ =	strace $0x9FFFFFFF  }
0xc8: {  	(tm) =	ssettm $0x7FFFFFFF  }
0xc9: {  	_ =	shalt  }
tec
execute0_lowered:
.L_overlay_start_1:
0x0: {  	(tag) =	ssettag $0x1  }
0x1: {  	s1 =	srdreg.scid  }
0x2: {  	s0 =	stileid.u32;
	s4 =	rddreg [dreg:$0x0]  }
0x3: {  	s3 =	rddreg [dreg:$0x1];
	s17 =	simm.s32 $0x900;
	s18 =	simm.s32 $0x1100  }
0x4: {  	s19 =	simm.s32 $0x1900;
	s20 =	simm.s32 $0x2100;
	s21 =	simm.s32 $0x2900  }
0x5: {  	s22 =	simm.s32 $0x3100;
	s24 =	simm.s32 $0x3900;
	s25 =	simm.s32 $0x4100  }
0x6: {  	s26 =	simm.s32 $0x4900;
	s7 =	simm.s32 $0x100;
	s9 =	simm.s32 $0x5900  }
0x7: {  	s10 =	simm.s32 $0x6100;
	s1 =	sand.u32 $0x1, s1;
	s2 =	sshll.u32 s0, $0x1  }
0x8: {  	s11 =	simm.s32 $0x6900;
	s5 =	sor.u32 s1, s2;
	s2 =	simm.s32 $0x0  }
0x9: {  	s12 =	simm.s32 $0x7100;
	s13 =	simm.s32 $0x7900;
	[smem:$0x7FF] =	sst s2  }
0xa: {  	s14 =	simm.s32 $0x8100;
	_ =	strace $0x80000047;
	[dreg:$0x5] =	wrdreg s17  }
0xb: {  	s15 =	simm.s32 $0x8900;
	s16 =	simm.s32 $0x9100;
	[dreg:$0x6] =	wrdreg s18  }
0xc: {  	s28 =	simm.s32 $0xE900;
	s29 =	simm.s32 $0xF100;
	[dreg:$0x7] =	wrdreg s19  }
0xd: {  	s30 =	simm.s32 $0xF900;
	s31 =	simm.s32 $0x1;
	[dreg:$0x8] =	wrdreg s20  }
0xe: {  	s1 =	ssub.s32 $0x2, s1;
	s6 =	sshll.u32 s5, $0x5;
	[dreg:$0x9] =	wrdreg s21  }
0xf: {  	s5 =	sshll.u32 s5, $0xD;
	s23 =	sshrl.u32 s1, $0x1;
	[dreg:$0xa] =	wrdreg s22  }
0x10: {  	s6 =	sadd.s32 s6, s4;
	s3 =	sadd.s32 s3, s5;
	[dreg:$0xb] =	wrdreg s24  }
0x11: {  	s4 =	sadd.s32 $0x800, s4;
	s1 =	ssub.s32 s1, s23;
	[dreg:$0xc] =	wrdreg s25  }
0x12: {  	[dreg:$0xd] =	wrdreg s26;
	s17 =	simm.s32 $0x9900;
	s18 =	simm.s32 $0xA100  }
0x13: {  	s19 =	simm.s32 $0xA900;
	s20 =	simm.s32 $0xB100;
	s21 =	simm.s32 $0xB900  }
0x14: {  	s22 =	simm.s32 $0xC100;
	s23 =	simm.s32 $0xC900;
	s6 =	sadd.s32 $0x40800, s6  }
0x15: {  	v2 =	vlaneseq.u32;
	s24 =	simm.s32 $0xD100;
	s5 =	sadd.s32 $0x1000, s3;
	[dreg:$0x3] =	wrdreg s6  }
0x16: {  	vm0 =	vmmov $0xffff;
	v1 =	vshrl.u32 v2, $0x3;
	s25 =	simm.s32 $0xD900;
	s26 =	simm.s32 $0xE100;
	[dreg:$0x4] =	wrdreg s5  }
0x17: {  	v0 =	vand.u32 $0x7, v2;
	v2 =	vor.u32 $0x8, v2;
	v1 =	vmul.u32 $0x8, v1;
	s5 =	smax.u32 s1, $0x1;
	s6 =	simm.s32 $0x3;
	s1 =	simm.s32 $0x2  }
.LBB2_1:
0x18: {  	s0 =	rddreg [dreg:$0x3]  }
0x19: {  	[tilespmem:s2], [sflag:$0x3] =	stream.linear.gather [hbm4b:s0+s2], $0x100, $0x38;
	[tilespmem:$0x10100] =	vst v63  }
0x1a: {  	_ =	swait.ge [sflag:s6], $0x100  }
0x1b: {  	[sflag:s6] =	ssyncset.done $0x0  }
0x1c: {  	[sflag:s6] =	ssyncadd.s32 $0xFFFFFF00  }
0x1d: {  	v3 =	vld [tilespmem:$0x0];
	_ =	sdelay $0x4  }
0x1e: {  	v4 =	vshll.u32 v3, $0x1  }
0x1f: {  	v3 =	vand.u32 $0x7, v3;
	v4 =	vand.u32 $0xFFFFFFF0, v4  }
0x20: {  	v3 =	vor.u32 v3, v4  }
0x21: {  	v4 =	vperm.xlane v3, v0;
	_ =	sdelay $0x1  }
0x22: {  	v3 =	vperm.xlane v3, v2;
	v4 =	vadd.s32 v1, v4;
	_ =	sdelay $0x1  }
0x23: {  	v3 =	vadd.s32 v1, v3;
	_ =	sdelay $0x2  }
0x24: {  	[tilespmem:s7], [sflag:$0x1] =	stream.indirect_vreg.gather [hbm4b:s4+s2], $0x80, v4, vm0, $0xb8;
	[tilespmem:$0x10100] =	vst v63  }
0x25: {  	s8 =	rddreg [dreg:$0x5]  }
0x26: {  	[tilespmem:s8], [sflag:$0x1] =	stream.indirect_vreg.gather [hbm4b:s4+s2], $0x80, v3, vm0, $0xb8;
	[tilespmem:$0x10100] =	vst v63  }
0x27: {  	v3 =	vld [tilespmem:$0x10];
	_ =	sdelay $0x4  }
0x28: {  	v49 =	vshll.u32 v3, $0x1  }
0x29: {  	v3 =	vand.u32 $0x7, v3;
	v4 =	vand.u32 $0xFFFFFFF0, v49  }
0x2a: {  	v3 =	vor.u32 v3, v4  }
0x2b: {  	v4 =	vperm.xlane v3, v0;
	_ =	sdelay $0x1  }
0x2c: {  	v3 =	vperm.xlane v3, v2;
	v4 =	vadd.s32 v1, v4;
	_ =	sdelay $0x1  }
0x2d: {  	v3 =	vadd.s32 v1, v3;
	_ =	sdelay $0x1  }
0x2e: {  	s0 =	rddreg [dreg:$0x6]  }
0x2f: {  	[tilespmem:s0], [sflag:$0x1] =	stream.indirect_vreg.gather [hbm4b:s4+s2], $0x80, v4, vm0, $0xb8;
	[tilespmem:$0x10100] =	vst v63  }
0x30: {  	s8 =	rddreg [dreg:$0x7]  }
0x31: {  	[tilespmem:s8], [sflag:$0x1] =	stream.indirect_vreg.gather [hbm4b:s4+s2], $0x80, v3, vm0, $0xb8;
	[tilespmem:$0x10100] =	vst v63  }
0x32: {  	v3 =	vld [tilespmem:$0x20];
	_ =	sdelay $0x4  }
0x33: {  	v50 =	vshll.u32 v3, $0x1  }
0x34: {  	v3 =	vand.u32 $0x7, v3;
	v4 =	vand.u32 $0xFFFFFFF0, v50  }
0x35: {  	v3 =	vor.u32 v3, v4  }
0x36: {  	v4 =	vperm.xlane v3, v0;
	_ =	sdelay $0x1  }
0x37: {  	v3 =	vperm.xlane v3, v2;
	v4 =	vadd.s32 v1, v4;
	_ =	sdelay $0x1  }
0x38: {  	v3 =	vadd.s32 v1, v3;
	_ =	sdelay $0x1  }
0x39: {  	s0 =	rddreg [dreg:$0x8]  }
0x3a: {  	[tilespmem:s0], [sflag:$0x1] =	stream.indirect_vreg.gather [hbm4b:s4+s2], $0x80, v4, vm0, $0xb8;
	[tilespmem:$0x10100] =	vst v63  }
0x3b: {  	s8 =	rddreg [dreg:$0x9]  }
0x3c: {  	[tilespmem:s8], [sflag:$0x1] =	stream.indirect_vreg.gather [hbm4b:s4+s2], $0x80, v3, vm0, $0xb8;
	[tilespmem:$0x10100] =	vst v63  }
0x3d: {  	v3 =	vld [tilespmem:$0x30];
	_ =	sdelay $0x4  }
0x3e: {  	v51 =	vshll.u32 v3, $0x1  }
0x3f: {  	v3 =	vand.u32 $0x7, v3;
	v4 =	vand.u32 $0xFFFFFFF0, v51  }
0x40: {  	v3 =	vor.u32 v3, v4  }
0x41: {  	v4 =	vperm.xlane v3, v0;
	_ =	sdelay $0x1  }
0x42: {  	v3 =	vperm.xlane v3, v2;
	v4 =	vadd.s32 v1, v4;
	_ =	sdelay $0x1  }
0x43: {  	v3 =	vadd.s32 v1, v3;
	_ =	sdelay $0x1  }
0x44: {  	s0 =	rddreg [dreg:$0xa]  }
0x45: {  	[tilespmem:s0], [sflag:$0x1] =	stream.indirect_vreg.gather [hbm4b:s4+s2], $0x80, v4, vm0, $0xb8;
	[tilespmem:$0x10100] =	vst v63  }
0x46: {  	s8 =	rddreg [dreg:$0xb]  }
0x47: {  	[tilespmem:s8], [sflag:$0x1] =	stream.indirect_vreg.gather [hbm4b:s4+s2], $0x80, v3, vm0, $0xb8;
	[tilespmem:$0x10100] =	vst v63  }
0x48: {  	v3 =	vld [tilespmem:$0x40];
	_ =	sdelay $0x4  }
0x49: {  	v52 =	vshll.u32 v3, $0x1  }
0x4a: {  	v3 =	vand.u32 $0x7, v3;
	v4 =	vand.u32 $0xFFFFFFF0, v52  }
0x4b: {  	v3 =	vor.u32 v3, v4  }
0x4c: {  	v4 =	vperm.xlane v3, v0;
	_ =	sdelay $0x1  }
0x4d: {  	v3 =	vperm.xlane v3, v2;
	v4 =	vadd.s32 v1, v4;
	_ =	sdelay $0x1  }
0x4e: {  	v3 =	vadd.s32 v1, v3;
	_ =	sdelay $0x1  }
0x4f: {  	s0 =	rddreg [dreg:$0xc]  }
0x50: {  	[tilespmem:s0], [sflag:$0x1] =	stream.indirect_vreg.gather [hbm4b:s4+s2], $0x80, v4, vm0, $0xb8;
	[tilespmem:$0x10100] =	vst v63  }
0x51: {  	s8 =	rddreg [dreg:$0xd]  }
0x52: {  	[tilespmem:s8], [sflag:$0x1] =	stream.indirect_vreg.gather [hbm4b:s4+s2], $0x80, v3, vm0, $0xb8;
	[tilespmem:$0x10100] =	vst v63  }
0x53: {  	v3 =	vld [tilespmem:$0x50];
	_ =	sdelay $0x4  }
0x54: {  	v53 =	vshll.u32 v3, $0x1  }
0x55: {  	v3 =	vand.u32 $0x7, v3;
	v4 =	vand.u32 $0xFFFFFFF0, v53  }
0x56: {  	v3 =	vor.u32 v3, v4  }
0x57: {  	v4 =	vperm.xlane v3, v0;
	_ =	sdelay $0x1  }
0x58: {  	v3 =	vperm.xlane v3, v2;
	v4 =	vadd.s32 v1, v4;
	_ =	sdelay $0x1  }
0x59: {  	v3 =	vadd.s32 v1, v3;
	_ =	sdelay $0x1  }
0x5a: {  	s8 =	simm.s32 $0x5100  }
0x5b: {  	[tilespmem:s8], [sflag:$0x1] =	stream.indirect_vreg.gather [hbm4b:s4+s2], $0x80, v4, vm0, $0xb8;
	[tilespmem:$0x10100] =	vst v63  }
0x5c: {  	_ = 	snop  }
0x5d: {  	[tilespmem:s9], [sflag:$0x1] =	stream.indirect_vreg.gather [hbm4b:s4+s2], $0x80, v3, vm0, $0xb8;
	[tilespmem:$0x10100] =	vst v63  }
0x5e: {  	v3 =	vld [tilespmem:$0x60];
	_ =	sdelay $0x4  }
0x5f: {  	v54 =	vshll.u32 v3, $0x1  }
0x60: {  	v3 =	vand.u32 $0x7, v3;
	v4 =	vand.u32 $0xFFFFFFF0, v54  }
0x61: {  	v3 =	vor.u32 v3, v4  }
0x62: {  	v4 =	vperm.xlane v3, v0;
	_ =	sdelay $0x1  }
0x63: {  	v3 =	vperm.xlane v3, v2;
	v4 =	vadd.s32 v1, v4;
	_ =	sdelay $0x1  }
0x64: {  	v3 =	vadd.s32 v1, v3;
	_ =	sdelay $0x2  }
0x65: {  	[tilespmem:s10], [sflag:$0x1] =	stream.indirect_vreg.gather [hbm4b:s4+s2], $0x80, v4, vm0, $0xb8;
	[tilespmem:$0x10100] =	vst v63  }
0x66: {  	_ = 	snop  }
0x67: {  	[tilespmem:s11], [sflag:$0x1] =	stream.indirect_vreg.gather [hbm4b:s4+s2], $0x80, v3, vm0, $0xb8;
	[tilespmem:$0x10100] =	vst v63  }
0x68: {  	v3 =	vld [tilespmem:$0x70];
	_ =	sdelay $0x4  }
0x69: {  	v55 =	vshll.u32 v3, $0x1  }
0x6a: {  	v3 =	vand.u32 $0x7, v3;
	v4 =	vand.u32 $0xFFFFFFF0, v55  }
0x6b: {  	v3 =	vor.u32 v3, v4  }
0x6c: {  	v4 =	vperm.xlane v3, v0;
	_ =	sdelay $0x1  }
0x6d: {  	v3 =	vperm.xlane v3, v2;
	v4 =	vadd.s32 v1, v4;
	_ =	sdelay $0x1  }
0x6e: {  	v3 =	vadd.s32 v1, v3;
	_ =	sdelay $0x2  }
0x6f: {  	[tilespmem:s12], [sflag:$0x1] =	stream.indirect_vreg.gather [hbm4b:s4+s2], $0x80, v4, vm0, $0xb8;
	[tilespmem:$0x10100] =	vst v63  }
0x70: {  	_ = 	snop  }
0x71: {  	[tilespmem:s13], [sflag:$0x1] =	stream.indirect_vreg.gather [hbm4b:s4+s2], $0x80, v3, vm0, $0xb8;
	[tilespmem:$0x10100] =	vst v63  }
0x72: {  	v3 =	vld [tilespmem:$0x80];
	_ =	sdelay $0x4  }
0x73: {  	v56 =	vshll.u32 v3, $0x1  }
0x74: {  	v3 =	vand.u32 $0x7, v3;
	v4 =	vand.u32 $0xFFFFFFF0, v56  }
0x75: {  	v3 =	vor.u32 v3, v4  }
0x76: {  	v4 =	vperm.xlane v3, v0;
	_ =	sdelay $0x1  }
0x77: {  	v3 =	vperm.xlane v3, v2;
	v4 =	vadd.s32 v1, v4;
	_ =	sdelay $0x1  }
0x78: {  	v3 =	vadd.s32 v1, v3;
	_ =	sdelay $0x2  }
0x79: {  	[tilespmem:s14], [sflag:$0x2] =	stream.indirect_vreg.gather [hbm4b:s4+s2], $0x80, v4, vm0, $0xb8;
	[tilespmem:$0x10100] =	vst v63  }
0x7a: {  	_ = 	snop  }
0x7b: {  	[tilespmem:s15], [sflag:$0x2] =	stream.indirect_vreg.gather [hbm4b:s4+s2], $0x80, v3, vm0, $0xb8;
	[tilespmem:$0x10100] =	vst v63  }
0x7c: {  	v3 =	vld [tilespmem:$0x90];
	_ =	sdelay $0x4  }
0x7d: {  	v57 =	vshll.u32 v3, $0x1  }
0x7e: {  	v3 =	vand.u32 $0x7, v3;
	v4 =	vand.u32 $0xFFFFFFF0, v57  }
0x7f: {  	v3 =	vor.u32 v3, v4  }
0x80: {  	v4 =	vperm.xlane v3, v0;
	_ =	sdelay $0x1  }
0x81: {  	v3 =	vperm.xlane v3, v2;
	v4 =	vadd.s32 v1, v4;
	_ =	sdelay $0x1  }
0x82: {  	v3 =	vadd.s32 v1, v3;
	_ =	sdelay $0x2  }
0x83: {  	[tilespmem:s16], [sflag:$0x2] =	stream.indirect_vreg.gather [hbm4b:s4+s2], $0x80, v4, vm0, $0xb8;
	[tilespmem:$0x10100] =	vst v63  }
0x84: {  	_ = 	snop  }
0x85: {  	[tilespmem:s17], [sflag:$0x2] =	stream.indirect_vreg.gather [hbm4b:s4+s2], $0x80, v3, vm0, $0xb8;
	[tilespmem:$0x10100] =	vst v63  }
0x86: {  	v3 =	vld [tilespmem:$0xA0];
	_ =	sdelay $0x4  }
0x87: {  	v58 =	vshll.u32 v3, $0x1  }
0x88: {  	v3 =	vand.u32 $0x7, v3;
	v4 =	vand.u32 $0xFFFFFFF0, v58  }
0x89: {  	v3 =	vor.u32 v3, v4  }
0x8a: {  	v4 =	vperm.xlane v3, v0;
	_ =	sdelay $0x1  }
0x8b: {  	v3 =	vperm.xlane v3, v2;
	v4 =	vadd.s32 v1, v4;
	_ =	sdelay $0x1  }
0x8c: {  	v3 =	vadd.s32 v1, v3;
	_ =	sdelay $0x2  }
0x8d: {  	[tilespmem:s18], [sflag:$0x2] =	stream.indirect_vreg.gather [hbm4b:s4+s2], $0x80, v4, vm0, $0xb8;
	[tilespmem:$0x10100] =	vst v63  }
0x8e: {  	_ = 	snop  }
0x8f: {  	[tilespmem:s19], [sflag:$0x2] =	stream.indirect_vreg.gather [hbm4b:s4+s2], $0x80, v3, vm0, $0xb8;
	[tilespmem:$0x10100] =	vst v63  }
0x90: {  	v3 =	vld [tilespmem:$0xB0];
	_ =	sdelay $0x4  }
0x91: {  	v59 =	vshll.u32 v3, $0x1  }
0x92: {  	v3 =	vand.u32 $0x7, v3;
	v4 =	vand.u32 $0xFFFFFFF0, v59  }
0x93: {  	v3 =	vor.u32 v3, v4  }
0x94: {  	v4 =	vperm.xlane v3, v0;
	_ =	sdelay $0x1  }
0x95: {  	v3 =	vperm.xlane v3, v2;
	v4 =	vadd.s32 v1, v4;
	_ =	sdelay $0x1  }
0x96: {  	v3 =	vadd.s32 v1, v3;
	_ =	sdelay $0x2  }
0x97: {  	[tilespmem:s20], [sflag:$0x2] =	stream.indirect_vreg.gather [hbm4b:s4+s2], $0x80, v4, vm0, $0xb8;
	[tilespmem:$0x10100] =	vst v63  }
0x98: {  	_ = 	snop  }
0x99: {  	[tilespmem:s21], [sflag:$0x2] =	stream.indirect_vreg.gather [hbm4b:s4+s2], $0x80, v3, vm0, $0xb8;
	[tilespmem:$0x10100] =	vst v63  }
0x9a: {  	v3 =	vld [tilespmem:$0xC0];
	_ =	sdelay $0x4  }
0x9b: {  	v60 =	vshll.u32 v3, $0x1  }
0x9c: {  	v3 =	vand.u32 $0x7, v3;
	v4 =	vand.u32 $0xFFFFFFF0, v60  }
0x9d: {  	v3 =	vor.u32 v3, v4  }
0x9e: {  	v4 =	vperm.xlane v3, v0;
	_ =	sdelay $0x1  }
0x9f: {  	v3 =	vperm.xlane v3, v2;
	v4 =	vadd.s32 v1, v4;
	_ =	sdelay $0x1  }
0xa0: {  	v3 =	vadd.s32 v1, v3;
	_ =	sdelay $0x2  }
0xa1: {  	[tilespmem:s22], [sflag:$0x2] =	stream.indirect_vreg.gather [hbm4b:s4+s2], $0x80, v4, vm0, $0xb8;
	[tilespmem:$0x10100] =	vst v63  }
0xa2: {  	_ = 	snop  }
0xa3: {  	[tilespmem:s23], [sflag:$0x2] =	stream.indirect_vreg.gather [hbm4b:s4+s2], $0x80, v3, vm0, $0xb8;
	[tilespmem:$0x10100] =	vst v63  }
0xa4: {  	v3 =	vld [tilespmem:$0xD0];
	_ =	sdelay $0x4  }
0xa5: {  	v61 =	vshll.u32 v3, $0x1  }
0xa6: {  	v3 =	vand.u32 $0x7, v3;
	v4 =	vand.u32 $0xFFFFFFF0, v61  }
0xa7: {  	v3 =	vor.u32 v3, v4  }
0xa8: {  	v4 =	vperm.xlane v3, v0;
	_ =	sdelay $0x1  }
0xa9: {  	v3 =	vperm.xlane v3, v2;
	v4 =	vadd.s32 v1, v4;
	_ =	sdelay $0x1  }
0xaa: {  	v3 =	vadd.s32 v1, v3;
	_ =	sdelay $0x2  }
0xab: {  	[tilespmem:s24], [sflag:$0x2] =	stream.indirect_vreg.gather [hbm4b:s4+s2], $0x80, v4, vm0, $0xb8;
	[tilespmem:$0x10100] =	vst v63  }
0xac: {  	_ = 	snop  }
0xad: {  	[tilespmem:s25], [sflag:$0x2] =	stream.indirect_vreg.gather [hbm4b:s4+s2], $0x80, v3, vm0, $0xb8;
	[tilespmem:$0x10100] =	vst v63  }
0xae: {  	v3 =	vld [tilespmem:$0xE0];
	_ =	sdelay $0x4  }
0xaf: {  	v62 =	vshll.u32 v3, $0x1  }
0xb0: {  	v3 =	vand.u32 $0x7, v3;
	v4 =	vand.u32 $0xFFFFFFF0, v62  }
0xb1: {  	v3 =	vor.u32 v3, v4  }
0xb2: {  	v4 =	vperm.xlane v3, v0;
	_ =	sdelay $0x1  }
0xb3: {  	v3 =	vperm.xlane v3, v2;
	v4 =	vadd.s32 v1, v4;
	_ =	sdelay $0x1  }
0xb4: {  	v3 =	vadd.s32 v1, v3;
	_ =	sdelay $0x2  }
0xb5: {  	[tilespmem:s26], [sflag:$0x2] =	stream.indirect_vreg.gather [hbm4b:s4+s2], $0x80, v4, vm0, $0xb8;
	[tilespmem:$0x10100] =	vst v63  }
0xb6: {  	_ = 	snop  }
0xb7: {  	[tilespmem:s28], [sflag:$0x2] =	stream.indirect_vreg.gather [hbm4b:s4+s2], $0x80, v3, vm0, $0xb8;
	[tilespmem:$0x10100] =	vst v63  }
0xb8: {  	v3 =	vld [tilespmem:$0xF0];
	_ =	sdelay $0x4  }
0xb9: {  	v63 =	vshll.u32 v3, $0x1  }
0xba: {  	v3 =	vand.u32 $0x7, v3;
	v4 =	vand.u32 $0xFFFFFFF0, v63  }
0xbb: {  	v3 =	vor.u32 v3, v4  }
0xbc: {  	v4 =	vperm.xlane v3, v0;
	_ =	sdelay $0x1  }
0xbd: {  	v3 =	vperm.xlane v3, v2;
	v4 =	vadd.s32 v1, v4;
	_ =	sdelay $0x1  }
0xbe: {  	v3 =	vadd.s32 v1, v3;
	_ =	sdelay $0x2  }
0xbf: {  	[tilespmem:s29], [sflag:$0x2] =	stream.indirect_vreg.gather [hbm4b:s4+s2], $0x80, v4, vm0, $0xb8;
	[tilespmem:$0x10100] =	vst v63  }
0xc0: {  	_ = 	snop  }
0xc1: {  	[tilespmem:s30], [sflag:$0x2] =	stream.indirect_vreg.gather [hbm4b:s4+s2], $0x80, v3, vm0, $0xb8;
	[tilespmem:$0x10100] =	vst v63  }
0xc2: {  	_ =	swait.ge [sflag:s31], $0x8000  }
0xc3: {  	[sflag:s31] =	ssyncset.done $0x0  }
0xc4: {  	[sflag:s31] =	ssyncadd.s32 $0xFFFF8000  }
0xc5: {  	[hbm4b:s3+s2] =	stream.linear.scatter [tilespmem:s7], [sflag:$0x3], $0x8000, $0x38;
	[tilespmem:$0x10100] =	vst v63  }
0xc6: {  	_ =	swait.ge [sflag:s6], $0x8000  }
0xc7: {  	[sflag:s6] =	ssyncset.done $0x0  }
0xc8: {  	[sflag:s6] =	ssyncadd.s32 $0xFFFF8000  }
0xc9: {  	_ =	swait.ge [sflag:s1], $0x8000  }
0xca: {  	p0 =	sne.s32 s5, $0x1;
	[sflag:s1] =	ssyncset.done $0x0  }
.Ltmp0:
0xcb: {  	s8 =	rddreg [dreg:$0x4];
	[sflag:s1] =	ssyncadd.s32 $0xFFFF8000;
	(pc) =	sbr.rel @p0 .LBB2_1-.Ltmp0, $4  }
0xcc: {  	[hbm4b:s8+s2] =	stream.linear.scatter [tilespmem:s14], [sflag:$0x3], $0x8000, $0x38;
	[tilespmem:$0x10100] =	vst v63  }
0xcd: {  	_ =	swait.ge [sflag:s6], $0x8000  }
0xce: {  	[sflag:s6] =	ssyncset.done $0x0  }
0xcf: {  	s5 =	sadd.s32 $0xFFFFFFFF, s5;
	[sflag:s6] =	ssyncadd.s32 $0xFFFF8000  }
0xd0: {  	_ =	sfence.sel $0x180000  }
0xd1: {  	[bflag:$0x0] =	sbarrier.arrive $0xFFFF  }
0xd2: {  	_ =	strace $0x90000047  }
0xd3: {  	s0 =	stileid.u32;
	[bflag:$0x2] =	sbarrier.arrive $0xFFFF  }
0xd4: {  	p0 =	sne.s32 s0, $0x0;
	s0 =	rddreg [dreg:$0x2]  }
0xd5: {  	s0 =	sadd.s32 @!p0 $0x100000, s0  }
0xd6: {  	[sflag:s0] =	ssyncadd.tile.s32 @!p0 $0x1;
	_ =	shalt  }
.Lfunc_end2:
_tile_overlayer_lowered:
.L_overlay_start_2:
0xd7: {  	(tag) =	ssettag $0x2  }
0xd8: {  	s0 =	rddreg [dreg:$0x0];
	s2 =	stileid.u32  }
0xd9: {  	s1 =	rddreg [dreg:$0x1];
	p0 =	sne.s32 s2, $0x0  }
0xda: {  	s3 =	rddreg [dreg:$0x2];
	[bflag:$0x3] =	sbarrier.arrive $0xFFFF;
	s2 =	simm.s32 @!p0 $0x1C03  }
0xdb: {  	[timem:s3], [sflag:s2] =	dma.local @!p0 [hbm:s0], s1  }
0xdc: {  	s0 =	simm.s32 @!p0 $0x3  }
0xdd: {  	_ =	swait.ge @!p0 [sflag:s0], s1  }
0xde: {  	s1 =	ssub.s32 @!p0 $0x0, s1;
	[sflag:s0] =	ssyncset.done @!p0 $0x0  }
0xdf: {  	[sflag:s0] =	ssyncadd.s32 @!p0 s1  }
0xe0: {  	[bflag:$0x3] =	sbarrier.arrive $0xFFFF  }
0xe1: {  	_ =	shalt  }

</sc_bundles>
